<compile_context>
chip_gen: v7x
topology: tpu7x:2x2x1
jax: 0.10.2.dev20260603
libtpu: 0.0.44.dev20260713+nightly
codegen_flags: <defaults>
</compile_context>

<pallas_src>
import functools

import jax
import jax.numpy as jnp
from jax import lax
from jax.experimental import pallas as pl
from jax.experimental.pallas import tpu as pltpu
from jax.experimental.pallas import tpu_sc as plsc

N_ATOMS = 100000
N_SPECIES = 16
LANES = 16
NUM_WORKERS = 16
CHUNK = 6400


def _body(idx_hbm, scale_hbm, shift_hbm, s_hbm, b_hbm,
          idx_v, s_v, b_v, scale_v, shift_v,
          sem_t, sem_i0, sem_i1, sem_i2, sem_i3, sem_out):
    wid = lax.axis_index("s") + lax.axis_index("c")
    base = lax.min(wid * CHUNK, N_ATOMS - CHUNK)

    Q = CHUNK // 4
    cp_sc = pltpu.async_copy(scale_hbm, scale_v, sem_t)
    cp_sh = pltpu.async_copy(shift_hbm, shift_v, sem_t)
    cp_in = []
    for q, sem in enumerate((sem_i0, sem_i1, sem_i2, sem_i3)):
        cp_in.append(pltpu.async_copy(
            idx_hbm.at[pl.ds(base + q * Q, Q)],
            idx_v.at[pl.ds(q * Q, Q)], sem))
    cp_sc.wait()
    cp_sh.wait()
    scale_reg = scale_v[...]
    shift_reg = shift_v[...]

    dnums = lax.GatherDimensionNumbers(
        offset_dims=(), collapsed_slice_dims=(0,), start_index_map=(0,))

    def table_lookup(table_reg, idx16):
        return lax.gather(table_reg, idx16[:, None], dnums, slice_sizes=(1,),
                          mode=lax.GatherScatterMode.PROMISE_IN_BOUNDS)

    def lookup_quarter(lo):
        @plsc.parallel_loop(lo // LANES, (lo + Q) // LANES, unroll=10)
        def step(i):
            off = i * LANES
            idx16 = idx_v[pl.ds(off, LANES)]
            s_v[pl.ds(off, LANES)] = table_lookup(scale_reg, idx16)
            b_v[pl.ds(off, LANES)] = table_lookup(shift_reg, idx16)

    cp_out = []
    for q in range(4):
        cp_in[q].wait()
        lookup_quarter(q * Q)
        cp_out.append(pltpu.async_copy(
            s_v.at[pl.ds(q * Q, Q)], s_hbm.at[pl.ds(base + q * Q, Q)],
            sem_out))
        cp_out.append(pltpu.async_copy(
            b_v.at[pl.ds(q * Q, Q)], b_hbm.at[pl.ds(base + q * Q, Q)],
            sem_out))
    for cp in cp_out:
        cp.wait()


@jax.jit
def _rescale(x_2d, idx_i32, scale, shift):
    mesh = plsc.VectorSubcoreMesh(
        core_axis_name="c", subcore_axis_name="s", num_cores=1)
    kfn = functools.partial(
        pl.kernel,
        out_type=(jax.ShapeDtypeStruct((N_ATOMS,), jnp.float32),
                  jax.ShapeDtypeStruct((N_ATOMS,), jnp.float32)),
        mesh=mesh,
        scratch_types=[
            pltpu.VMEM((CHUNK,), jnp.int32),
            pltpu.VMEM((CHUNK,), jnp.float32),
            pltpu.VMEM((CHUNK,), jnp.float32),
            pltpu.VMEM((N_SPECIES,), jnp.float32),
            pltpu.VMEM((N_SPECIES,), jnp.float32),
            pltpu.SemaphoreType.DMA,
            pltpu.SemaphoreType.DMA,
            pltpu.SemaphoreType.DMA,
            pltpu.SemaphoreType.DMA,
            pltpu.SemaphoreType.DMA,
            pltpu.SemaphoreType.DMA,
        ],
    )(_body)
    s_arr, b_arr = kfn(idx_i32, scale, shift)
    return x_2d * s_arr[:, None] + b_arr[:, None]


def kernel(x, indices, shift, scale):
    idx_i32 = indices.astype(jnp.int32)
    return _rescale(x, idx_i32, scale, shift)

# --- scband reference (transcript-rebuilt; emitter-appended) ---
"""Pipeline reference for scband-species-wise-rescale-35227321762137 (READ-ONLY COPY).

The authoritative reference and input builder live on the scoring server;
editing this copy changes nothing except your own understanding.
"""

import jax, jax.numpy as jnp
import numpy as np

N_ATOMS = 100000
N_SPECIES = 16


def setup_inputs(seed: int = 0) -> dict:
    key = jax.random.key(seed)
    k1, k2, k3, k4 = jax.random.split(key, 4)
    x = jax.random.normal(k1, (N_ATOMS, 1), dtype=jnp.float32)
    indices = jax.random.randint(k2, (N_ATOMS,), 0, N_SPECIES, dtype=jnp.int64)
    shift = jax.random.normal(k3, (N_SPECIES,), dtype=jnp.float32)
    scale = 0.5 + jax.random.uniform(k4, (N_SPECIES,), dtype=jnp.float32)
    return {"x": x, "indices": indices, "shift": shift, "scale": scale}


def reference(x, indices, shift, scale):
    # SpeciesWiseRescale.forward:
    # out = x * scale[indices].view(-1, 1) + shift[indices].view(-1, 1)
    s = jnp.take(scale, indices, axis=0).reshape(-1, 1)
    b = jnp.take(shift, indices, axis=0).reshape(-1, 1)
    return x * s + b

if __name__ == "__main__":
    import jax
    _d = setup_inputs()
    print(jax.jit(kernel)(*tuple(_d.values())))

</pallas_src>

<mosaic_0001>
#map = affine_map<(d0, d1) -> (0)>
module attributes {stable_mosaic.version = 14 : i64} {
  func.func @_body(%arg0: i32, %arg1: i32, %arg2: memref<100000xi32, #tpu.memory_space<hbm>>, %arg3: memref<16xf32, #tpu.memory_space<hbm>>, %arg4: memref<16xf32, #tpu.memory_space<hbm>>, %arg5: memref<100000xf32, #tpu.memory_space<hbm>>, %arg6: memref<100000xf32, #tpu.memory_space<hbm>>, %arg7: memref<6400xi32, #tpu.memory_space<vmem>>, %arg8: memref<6400xf32, #tpu.memory_space<vmem>>, %arg9: memref<6400xf32, #tpu.memory_space<vmem>>, %arg10: memref<16xf32, #tpu.memory_space<vmem>>, %arg11: memref<16xf32, #tpu.memory_space<vmem>>, %arg12: memref<!tpu.dma_semaphore, #tpu.memory_space<semaphore_mem>>, %arg13: memref<!tpu.dma_semaphore, #tpu.memory_space<semaphore_mem>>, %arg14: memref<!tpu.dma_semaphore, #tpu.memory_space<semaphore_mem>>, %arg15: memref<!tpu.dma_semaphore, #tpu.memory_space<semaphore_mem>>, %arg16: memref<!tpu.dma_semaphore, #tpu.memory_space<semaphore_mem>>, %arg17: memref<!tpu.dma_semaphore, #tpu.memory_space<semaphore_mem>>) attributes {dimension_semantics = [#tpu.dimension_semantics<core_parallel>, #tpu.dimension_semantics<subcore_parallel>], iteration_bounds = array<i64: 1, 16>, scalar_prefetch = 0 : i64, scratch_operands = 11 : i64, tpu.core_type = #tpu.core_type<sc_vector_subcore>, window_params = [{transform_indices = #map}, {transform_indices = #map}, {transform_indices = #map}, {transform_indices = #map}, {transform_indices = #map}]} {
    %add3A = arith.addi %arg1, %arg0 : i32
    %mul3A = arith.constant 6400 : i32
    %mul3A_0 = arith.muli %add3A, %mul3A : i32
    %min3A = arith.constant 93600 : i32
    %min3A_1 = arith.minsi %mul3A_0, %min3A : i32
    tpu.enqueue_dma source(%arg3 : memref<16xf32, #tpu.memory_space<hbm>>) target(%arg10 : memref<16xf32, #tpu.memory_space<vmem>>) target_semaphore(%arg12 : memref<!tpu.dma_semaphore, #tpu.memory_space<semaphore_mem>>)
    tpu.enqueue_dma source(%arg4 : memref<16xf32, #tpu.memory_space<hbm>>) target(%arg11 : memref<16xf32, #tpu.memory_space<vmem>>) target_semaphore(%arg12 : memref<!tpu.dma_semaphore, #tpu.memory_space<semaphore_mem>>)
    %add3A_2 = arith.constant 0 : i32
    %add3A_3 = arith.addi %min3A_1, %add3A_2 : i32
    %dma_start3A = arith.constant 0 : i32
    %dma_start3A_4 = tpu.memref_slice %arg7[%dma_start3A] : memref<6400xi32, #tpu.memory_space<vmem>> -> memref<1600xi32, #tpu.memory_space<vmem>>
    %dma_start3A_5 = tpu.memref_slice %arg2[%add3A_3] : memref<100000xi32, #tpu.memory_space<hbm>> -> memref<1600xi32, #tpu.memory_space<hbm>>
    %dma_start3A_6 = arith.constant 0 : i32
    %dma_start3A_7 = tpu.memref_slice %arg7[%dma_start3A_6] : memref<6400xi32, #tpu.memory_space<vmem>> -> memref<1600xi32, #tpu.memory_space<vmem>>
    %dma_start3A_8 = tpu.memref_slice %arg2[%add3A_3] : memref<100000xi32, #tpu.memory_space<hbm>> -> memref<1600xi32, #tpu.memory_space<hbm>>
    tpu.enqueue_dma source(%dma_start3A_8 : memref<1600xi32, #tpu.memory_space<hbm>>) target(%dma_start3A_7 : memref<1600xi32, #tpu.memory_space<vmem>>) target_semaphore(%arg13 : memref<!tpu.dma_semaphore, #tpu.memory_space<semaphore_mem>>)
    %add3A_9 = arith.constant 1600 : i32
    %add3A_10 = arith.addi %min3A_1, %add3A_9 : i32
    %dma_start3A_11 = arith.constant 1600 : i32
    %dma_start3A_12 = tpu.memref_slice %arg7[%dma_start3A_11] : memref<6400xi32, #tpu.memory_space<vmem>> -> memref<1600xi32, #tpu.memory_space<vmem>>
    %dma_start3A_13 = tpu.memref_slice %arg2[%add3A_10] : memref<100000xi32, #tpu.memory_space<hbm>> -> memref<1600xi32, #tpu.memory_space<hbm>>
    %dma_start3A_14 = arith.constant 1600 : i32
    %dma_start3A_15 = tpu.memref_slice %arg7[%dma_start3A_14] : memref<6400xi32, #tpu.memory_space<vmem>> -> memref<1600xi32, #tpu.memory_space<vmem>>
    %dma_start3A_16 = tpu.memref_slice %arg2[%add3A_10] : memref<100000xi32, #tpu.memory_space<hbm>> -> memref<1600xi32, #tpu.memory_space<hbm>>
    tpu.enqueue_dma source(%dma_start3A_16 : memref<1600xi32, #tpu.memory_space<hbm>>) target(%dma_start3A_15 : memref<1600xi32, #tpu.memory_space<vmem>>) target_semaphore(%arg14 : memref<!tpu.dma_semaphore, #tpu.memory_space<semaphore_mem>>)
    %add3A_17 = arith.constant 3200 : i32
    %add3A_18 = arith.addi %min3A_1, %add3A_17 : i32
    %dma_start3A_19 = arith.constant 3200 : i32
    %dma_start3A_20 = tpu.memref_slice %arg7[%dma_start3A_19] : memref<6400xi32, #tpu.memory_space<vmem>> -> memref<1600xi32, #tpu.memory_space<vmem>>
    %dma_start3A_21 = tpu.memref_slice %arg2[%add3A_18] : memref<100000xi32, #tpu.memory_space<hbm>> -> memref<1600xi32, #tpu.memory_space<hbm>>
    %dma_start3A_22 = arith.constant 3200 : i32
    %dma_start3A_23 = tpu.memref_slice %arg7[%dma_start3A_22] : memref<6400xi32, #tpu.memory_space<vmem>> -> memref<1600xi32, #tpu.memory_space<vmem>>
    %dma_start3A_24 = tpu.memref_slice %arg2[%add3A_18] : memref<100000xi32, #tpu.memory_space<hbm>> -> memref<1600xi32, #tpu.memory_space<hbm>>
    tpu.enqueue_dma source(%dma_start3A_24 : memref<1600xi32, #tpu.memory_space<hbm>>) target(%dma_start3A_23 : memref<1600xi32, #tpu.memory_space<vmem>>) target_semaphore(%arg15 : memref<!tpu.dma_semaphore, #tpu.memory_space<semaphore_mem>>)
    %add3A_25 = arith.constant 4800 : i32
    %add3A_26 = arith.addi %min3A_1, %add3A_25 : i32
    %dma_start3A_27 = arith.constant 4800 : i32
    %dma_start3A_28 = tpu.memref_slice %arg7[%dma_start3A_27] : memref<6400xi32, #tpu.memory_space<vmem>> -> memref<1600xi32, #tpu.memory_space<vmem>>
    %dma_start3A_29 = tpu.memref_slice %arg2[%add3A_26] : memref<100000xi32, #tpu.memory_space<hbm>> -> memref<1600xi32, #tpu.memory_space<hbm>>
    %dma_start3A_30 = arith.constant 4800 : i32
    %dma_start3A_31 = tpu.memref_slice %arg7[%dma_start3A_30] : memref<6400xi32, #tpu.memory_space<vmem>> -> memref<1600xi32, #tpu.memory_space<vmem>>
    %dma_start3A_32 = tpu.memref_slice %arg2[%add3A_26] : memref<100000xi32, #tpu.memory_space<hbm>> -> memref<1600xi32, #tpu.memory_space<hbm>>
    tpu.enqueue_dma source(%dma_start3A_32 : memref<1600xi32, #tpu.memory_space<hbm>>) target(%dma_start3A_31 : memref<1600xi32, #tpu.memory_space<vmem>>) target_semaphore(%arg16 : memref<!tpu.dma_semaphore, #tpu.memory_space<semaphore_mem>>)
    tpu.wait_dma2 semaphore(%arg12 : memref<!tpu.dma_semaphore, #tpu.memory_space<semaphore_mem>>) src(%arg3 : memref<16xf32, #tpu.memory_space<hbm>>) dst(%arg10 : memref<16xf32, #tpu.memory_space<vmem>>)
    tpu.wait_dma2 semaphore(%arg12 : memref<!tpu.dma_semaphore, #tpu.memory_space<semaphore_mem>>) src(%arg4 : memref<16xf32, #tpu.memory_space<hbm>>) dst(%arg11 : memref<16xf32, #tpu.memory_space<vmem>>)
    %get3A = arith.constant 0 : index
    %get3A_33 = tpu.vector_load %arg10[%get3A] {strides = array<i32>} : memref<16xf32, #tpu.memory_space<vmem>>, vector<16xf32>,
    %get3A_34 = vector.shape_cast %get3A_33 : vector<16xf32> to vector<16xf32>
    %get3A_35 = arith.constant 0 : index
    %get3A_36 = tpu.vector_load %arg11[%get3A_35] {strides = array<i32>} : memref<16xf32, #tpu.memory_space<vmem>>, vector<16xf32>,
    %get3A_37 = vector.shape_cast %get3A_36 : vector<16xf32> to vector<16xf32>
    %dma_wait3A = arith.constant 0 : i32
    %dma_wait3A_38 = tpu.memref_slice %arg7[%dma_wait3A] : memref<6400xi32, #tpu.memory_space<vmem>> -> memref<1600xi32, #tpu.memory_space<vmem>>
    %dma_wait3A_39 = tpu.memref_slice %arg2[%add3A_3] : memref<100000xi32, #tpu.memory_space<hbm>> -> memref<1600xi32, #tpu.memory_space<hbm>>
    %dma_wait3A_40 = arith.constant 0 : i32
    %dma_wait3A_41 = tpu.memref_slice %arg7[%dma_wait3A_40] : memref<6400xi32, #tpu.memory_space<vmem>> -> memref<1600xi32, #tpu.memory_space<vmem>>
    %dma_wait3A_42 = tpu.memref_slice %arg2[%add3A_3] : memref<100000xi32, #tpu.memory_space<hbm>> -> memref<1600xi32, #tpu.memory_space<hbm>>
    tpu.wait_dma2 semaphore(%arg13 : memref<!tpu.dma_semaphore, #tpu.memory_space<semaphore_mem>>) src(%dma_wait3A_42 : memref<1600xi32, #tpu.memory_space<hbm>>) dst(%dma_wait3A_41 : memref<1600xi32, #tpu.memory_space<vmem>>)
    %parallel_loop3A = arith.constant 0 : i32
    %parallel_loop3A_43 = arith.constant 100 : i32
    %parallel_loop3A_44 = arith.constant 1 : i32
    scf.for %parallel_loop3A_184 = %parallel_loop3A to %parallel_loop3A_43 step %parallel_loop3A_44  : i32 {
      %parallel_loop3A_185 = arith.constant 16 : i32
      %parallel_loop3A_186 = arith.muli %parallel_loop3A_184, %parallel_loop3A_185 : i32
      %parallel_loop3A_187 = arith.index_cast %parallel_loop3A_186 : i32 to index
      %parallel_loop3A_188 = tpu.vector_load %arg7[%parallel_loop3A_187] {strides = array<i32>} : memref<6400xi32, #tpu.memory_space<vmem>>, vector<16xi32>,
      %parallel_loop3A_189 = vector.shape_cast %parallel_loop3A_188 : vector<16xi32> to vector<16xi32>
      %parallel_loop3A_190 = vector.shape_cast %parallel_loop3A_189 : vector<16xi32> to vector<16x1xi32>
      %parallel_loop3A_191 = vector.shape_cast %parallel_loop3A_190 : vector<16x1xi32> to vector<16xi32>
      %parallel_loop3A_192 = tpu.dynamic_gather %get3A_34[%parallel_loop3A_191] in [0] : vector<16xf32>, vector<16xi32> -> vector<16xf32>
      %parallel_loop3A_193 = arith.index_cast %parallel_loop3A_186 : i32 to index
      %parallel_loop3A_194 = tpu.vector_load %arg8[%parallel_loop3A_193] {strides = array<i32>} : memref<6400xf32, #tpu.memory_space<vmem>>, vector<16xf32>,
      %parallel_loop3A_195 = vector.shape_cast %parallel_loop3A_194 : vector<16xf32> to vector<16xf32>
      %parallel_loop3A_196 = vector.shape_cast %parallel_loop3A_192 : vector<16xf32> to vector<16xf32>
      tpu.vector_store %arg8[%parallel_loop3A_193], %parallel_loop3A_196 {strides = array<i32>} : memref<6400xf32, #tpu.memory_space<vmem>>, vector<16xf32>,
      %parallel_loop3A_197 = vector.shape_cast %parallel_loop3A_189 : vector<16xi32> to vector<16x1xi32>
      %parallel_loop3A_198 = vector.shape_cast %parallel_loop3A_197 : vector<16x1xi32> to vector<16xi32>
      %parallel_loop3A_199 = tpu.dynamic_gather %get3A_37[%parallel_loop3A_198] in [0] : vector<16xf32>, vector<16xi32> -> vector<16xf32>
      %parallel_loop3A_200 = arith.index_cast %parallel_loop3A_186 : i32 to index
      %parallel_loop3A_201 = tpu.vector_load %arg9[%parallel_loop3A_200] {strides = array<i32>} : memref<6400xf32, #tpu.memory_space<vmem>>, vector<16xf32>,
      %parallel_loop3A_202 = vector.shape_cast %parallel_loop3A_201 : vector<16xf32> to vector<16xf32>
      %parallel_loop3A_203 = vector.shape_cast %parallel_loop3A_199 : vector<16xf32> to vector<16xf32>
      tpu.vector_store %arg9[%parallel_loop3A_200], %parallel_loop3A_203 {strides = array<i32>} : memref<6400xf32, #tpu.memory_space<vmem>>, vector<16xf32>,
    } {sc.loop_unroll_factor = 10 : i64, sc.parallel_access}
    %add3A_45 = arith.constant 0 : i32
    %add3A_46 = arith.addi %min3A_1, %add3A_45 : i32
    %dma_start3A_47 = arith.constant 0 : i32
    %dma_start3A_48 = tpu.memref_slice %arg8[%dma_start3A_47] : memref<6400xf32, #tpu.memory_space<vmem>> -> memref<1600xf32, #tpu.memory_space<vmem>>
    %dma_start3A_49 = tpu.memref_slice %arg5[%add3A_46] : memref<100000xf32, #tpu.memory_space<hbm>> -> memref<1600xf32, #tpu.memory_space<hbm>>
    %dma_start3A_50 = tpu.memref_slice %arg5[%add3A_46] : memref<100000xf32, #tpu.memory_space<hbm>> -> memref<1600xf32, #tpu.memory_space<hbm>>
    %dma_start3A_51 = arith.constant 0 : i32
    %dma_start3A_52 = tpu.memref_slice %arg8[%dma_start3A_51] : memref<6400xf32, #tpu.memory_space<vmem>> -> memref<1600xf32, #tpu.memory_space<vmem>>
    tpu.enqueue_dma source(%dma_start3A_52 : memref<1600xf32, #tpu.memory_space<vmem>>) target(%dma_start3A_50 : memref<1600xf32, #tpu.memory_space<hbm>>) target_semaphore(%arg17 : memref<!tpu.dma_semaphore, #tpu.memory_space<semaphore_mem>>)
    %add3A_53 = arith.constant 0 : i32
    %add3A_54 = arith.addi %min3A_1, %add3A_53 : i32
    %dma_start3A_55 = arith.constant 0 : i32
    %dma_start3A_56 = tpu.memref_slice %arg9[%dma_start3A_55] : memref<6400xf32, #tpu.memory_space<vmem>> -> memref<1600xf32, #tpu.memory_space<vmem>>
    %dma_start3A_57 = tpu.memref_slice %arg6[%add3A_54] : memref<100000xf32, #tpu.memory_space<hbm>> -> memref<1600xf32, #tpu.memory_space<hbm>>
    %dma_start3A_58 = tpu.memref_slice %arg6[%add3A_54] : memref<100000xf32, #tpu.memory_space<hbm>> -> memref<1600xf32, #tpu.memory_space<hbm>>
    %dma_start3A_59 = arith.constant 0 : i32
    %dma_start3A_60 = tpu.memref_slice %arg9[%dma_start3A_59] : memref<6400xf32, #tpu.memory_space<vmem>> -> memref<1600xf32, #tpu.memory_space<vmem>>
    tpu.enqueue_dma source(%dma_start3A_60 : memref<1600xf32, #tpu.memory_space<vmem>>) target(%dma_start3A_58 : memref<1600xf32, #tpu.memory_space<hbm>>) target_semaphore(%arg17 : memref<!tpu.dma_semaphore, #tpu.memory_space<semaphore_mem>>)
    %dma_wait3A_61 = arith.constant 1600 : i32
    %dma_wait3A_62 = tpu.memref_slice %arg7[%dma_wait3A_61] : memref<6400xi32, #tpu.memory_space<vmem>> -> memref<1600xi32, #tpu.memory_space<vmem>>
    %dma_wait3A_63 = tpu.memref_slice %arg2[%add3A_10] : memref<100000xi32, #tpu.memory_space<hbm>> -> memref<1600xi32, #tpu.memory_space<hbm>>
    %dma_wait3A_64 = arith.constant 1600 : i32
    %dma_wait3A_65 = tpu.memref_slice %arg7[%dma_wait3A_64] : memref<6400xi32, #tpu.memory_space<vmem>> -> memref<1600xi32, #tpu.memory_space<vmem>>
    %dma_wait3A_66 = tpu.memref_slice %arg2[%add3A_10] : memref<100000xi32, #tpu.memory_space<hbm>> -> memref<1600xi32, #tpu.memory_space<hbm>>
    tpu.wait_dma2 semaphore(%arg14 : memref<!tpu.dma_semaphore, #tpu.memory_space<semaphore_mem>>) src(%dma_wait3A_66 : memref<1600xi32, #tpu.memory_space<hbm>>) dst(%dma_wait3A_65 : memref<1600xi32, #tpu.memory_space<vmem>>)
    %parallel_loop3A_67 = arith.constant 100 : i32
    %parallel_loop3A_68 = arith.constant 200 : i32
    %parallel_loop3A_69 = arith.constant 1 : i32
    scf.for %parallel_loop3A_184 = %parallel_loop3A_67 to %parallel_loop3A_68 step %parallel_loop3A_69  : i32 {
      %parallel_loop3A_185 = arith.constant 16 : i32
      %parallel_loop3A_186 = arith.muli %parallel_loop3A_184, %parallel_loop3A_185 : i32
      %parallel_loop3A_187 = arith.index_cast %parallel_loop3A_186 : i32 to index
      %parallel_loop3A_188 = tpu.vector_load %arg7[%parallel_loop3A_187] {strides = array<i32>} : memref<6400xi32, #tpu.memory_space<vmem>>, vector<16xi32>,
      %parallel_loop3A_189 = vector.shape_cast %parallel_loop3A_188 : vector<16xi32> to vector<16xi32>
      %parallel_loop3A_190 = vector.shape_cast %parallel_loop3A_189 : vector<16xi32> to vector<16x1xi32>
      %parallel_loop3A_191 = vector.shape_cast %parallel_loop3A_190 : vector<16x1xi32> to vector<16xi32>
      %parallel_loop3A_192 = tpu.dynamic_gather %get3A_34[%parallel_loop3A_191] in [0] : vector<16xf32>, vector<16xi32> -> vector<16xf32>
      %parallel_loop3A_193 = arith.index_cast %parallel_loop3A_186 : i32 to index
      %parallel_loop3A_194 = tpu.vector_load %arg8[%parallel_loop3A_193] {strides = array<i32>} : memref<6400xf32, #tpu.memory_space<vmem>>, vector<16xf32>,
      %parallel_loop3A_195 = vector.shape_cast %parallel_loop3A_194 : vector<16xf32> to vector<16xf32>
      %parallel_loop3A_196 = vector.shape_cast %parallel_loop3A_192 : vector<16xf32> to vector<16xf32>
      tpu.vector_store %arg8[%parallel_loop3A_193], %parallel_loop3A_196 {strides = array<i32>} : memref<6400xf32, #tpu.memory_space<vmem>>, vector<16xf32>,
      %parallel_loop3A_197 = vector.shape_cast %parallel_loop3A_189 : vector<16xi32> to vector<16x1xi32>
      %parallel_loop3A_198 = vector.shape_cast %parallel_loop3A_197 : vector<16x1xi32> to vector<16xi32>
      %parallel_loop3A_199 = tpu.dynamic_gather %get3A_37[%parallel_loop3A_198] in [0] : vector<16xf32>, vector<16xi32> -> vector<16xf32>
      %parallel_loop3A_200 = arith.index_cast %parallel_loop3A_186 : i32 to index
      %parallel_loop3A_201 = tpu.vector_load %arg9[%parallel_loop3A_200] {strides = array<i32>} : memref<6400xf32, #tpu.memory_space<vmem>>, vector<16xf32>,
      %parallel_loop3A_202 = vector.shape_cast %parallel_loop3A_201 : vector<16xf32> to vector<16xf32>
      %parallel_loop3A_203 = vector.shape_cast %parallel_loop3A_199 : vector<16xf32> to vector<16xf32>
      tpu.vector_store %arg9[%parallel_loop3A_200], %parallel_loop3A_203 {strides = array<i32>} : memref<6400xf32, #tpu.memory_space<vmem>>, vector<16xf32>,
    } {sc.loop_unroll_factor = 10 : i64, sc.parallel_access}
    %add3A_70 = arith.constant 1600 : i32
    %add3A_71 = arith.addi %min3A_1, %add3A_70 : i32
    %dma_start3A_72 = arith.constant 1600 : i32
    %dma_start3A_73 = tpu.memref_slice %arg8[%dma_start3A_72] : memref<6400xf32, #tpu.memory_space<vmem>> -> memref<1600xf32, #tpu.memory_space<vmem>>
    %dma_start3A_74 = tpu.memref_slice %arg5[%add3A_71] : memref<100000xf32, #tpu.memory_space<hbm>> -> memref<1600xf32, #tpu.memory_space<hbm>>
    %dma_start3A_75 = tpu.memref_slice %arg5[%add3A_71] : memref<100000xf32, #tpu.memory_space<hbm>> -> memref<1600xf32, #tpu.memory_space<hbm>>
    %dma_start3A_76 = arith.constant 1600 : i32
    %dma_start3A_77 = tpu.memref_slice %arg8[%dma_start3A_76] : memref<6400xf32, #tpu.memory_space<vmem>> -> memref<1600xf32, #tpu.memory_space<vmem>>
    tpu.enqueue_dma source(%dma_start3A_77 : memref<1600xf32, #tpu.memory_space<vmem>>) target(%dma_start3A_75 : memref<1600xf32, #tpu.memory_space<hbm>>) target_semaphore(%arg17 : memref<!tpu.dma_semaphore, #tpu.memory_space<semaphore_mem>>)
    %add3A_78 = arith.constant 1600 : i32
    %add3A_79 = arith.addi %min3A_1, %add3A_78 : i32
    %dma_start3A_80 = arith.constant 1600 : i32
    %dma_start3A_81 = tpu.memref_slice %arg9[%dma_start3A_80] : memref<6400xf32, #tpu.memory_space<vmem>> -> memref<1600xf32, #tpu.memory_space<vmem>>
    %dma_start3A_82 = tpu.memref_slice %arg6[%add3A_79] : memref<100000xf32, #tpu.memory_space<hbm>> -> memref<1600xf32, #tpu.memory_space<hbm>>
    %dma_start3A_83 = tpu.memref_slice %arg6[%add3A_79] : memref<100000xf32, #tpu.memory_space<hbm>> -> memref<1600xf32, #tpu.memory_space<hbm>>
    %dma_start3A_84 = arith.constant 1600 : i32
    %dma_start3A_85 = tpu.memref_slice %arg9[%dma_start3A_84] : memref<6400xf32, #tpu.memory_space<vmem>> -> memref<1600xf32, #tpu.memory_space<vmem>>
    tpu.enqueue_dma source(%dma_start3A_85 : memref<1600xf32, #tpu.memory_space<vmem>>) target(%dma_start3A_83 : memref<1600xf32, #tpu.memory_space<hbm>>) target_semaphore(%arg17 : memref<!tpu.dma_semaphore, #tpu.memory_space<semaphore_mem>>)
    %dma_wait3A_86 = arith.constant 3200 : i32
    %dma_wait3A_87 = tpu.memref_slice %arg7[%dma_wait3A_86] : memref<6400xi32, #tpu.memory_space<vmem>> -> memref<1600xi32, #tpu.memory_space<vmem>>
    %dma_wait3A_88 = tpu.memref_slice %arg2[%add3A_18] : memref<100000xi32, #tpu.memory_space<hbm>> -> memref<1600xi32, #tpu.memory_space<hbm>>
    %dma_wait3A_89 = arith.constant 3200 : i32
    %dma_wait3A_90 = tpu.memref_slice %arg7[%dma_wait3A_89] : memref<6400xi32, #tpu.memory_space<vmem>> -> memref<1600xi32, #tpu.memory_space<vmem>>
    %dma_wait3A_91 = tpu.memref_slice %arg2[%add3A_18] : memref<100000xi32, #tpu.memory_space<hbm>> -> memref<1600xi32, #tpu.memory_space<hbm>>
    tpu.wait_dma2 semaphore(%arg15 : memref<!tpu.dma_semaphore, #tpu.memory_space<semaphore_mem>>) src(%dma_wait3A_91 : memref<1600xi32, #tpu.memory_space<hbm>>) dst(%dma_wait3A_90 : memref<1600xi32, #tpu.memory_space<vmem>>)
    %parallel_loop3A_92 = arith.constant 200 : i32
    %parallel_loop3A_93 = arith.constant 300 : i32
    %parallel_loop3A_94 = arith.constant 1 : i32
    scf.for %parallel_loop3A_184 = %parallel_loop3A_92 to %parallel_loop3A_93 step %parallel_loop3A_94  : i32 {
      %parallel_loop3A_185 = arith.constant 16 : i32
      %parallel_loop3A_186 = arith.muli %parallel_loop3A_184, %parallel_loop3A_185 : i32
      %parallel_loop3A_187 = arith.index_cast %parallel_loop3A_186 : i32 to index
      %parallel_loop3A_188 = tpu.vector_load %arg7[%parallel_loop3A_187] {strides = array<i32>} : memref<6400xi32, #tpu.memory_space<vmem>>, vector<16xi32>,
      %parallel_loop3A_189 = vector.shape_cast %parallel_loop3A_188 : vector<16xi32> to vector<16xi32>
      %parallel_loop3A_190 = vector.shape_cast %parallel_loop3A_189 : vector<16xi32> to vector<16x1xi32>
      %parallel_loop3A_191 = vector.shape_cast %parallel_loop3A_190 : vector<16x1xi32> to vector<16xi32>
      %parallel_loop3A_192 = tpu.dynamic_gather %get3A_34[%parallel_loop3A_191] in [0] : vector<16xf32>, vector<16xi32> -> vector<16xf32>
      %parallel_loop3A_193 = arith.index_cast %parallel_loop3A_186 : i32 to index
      %parallel_loop3A_194 = tpu.vector_load %arg8[%parallel_loop3A_193] {strides = array<i32>} : memref<6400xf32, #tpu.memory_space<vmem>>, vector<16xf32>,
      %parallel_loop3A_195 = vector.shape_cast %parallel_loop3A_194 : vector<16xf32> to vector<16xf32>
      %parallel_loop3A_196 = vector.shape_cast %parallel_loop3A_192 : vector<16xf32> to vector<16xf32>
      tpu.vector_store %arg8[%parallel_loop3A_193], %parallel_loop3A_196 {strides = array<i32>} : memref<6400xf32, #tpu.memory_space<vmem>>, vector<16xf32>,
      %parallel_loop3A_197 = vector.shape_cast %parallel_loop3A_189 : vector<16xi32> to vector<16x1xi32>
      %parallel_loop3A_198 = vector.shape_cast %parallel_loop3A_197 : vector<16x1xi32> to vector<16xi32>
      %parallel_loop3A_199 = tpu.dynamic_gather %get3A_37[%parallel_loop3A_198] in [0] : vector<16xf32>, vector<16xi32> -> vector<16xf32>
      %parallel_loop3A_200 = arith.index_cast %parallel_loop3A_186 : i32 to index
      %parallel_loop3A_201 = tpu.vector_load %arg9[%parallel_loop3A_200] {strides = array<i32>} : memref<6400xf32, #tpu.memory_space<vmem>>, vector<16xf32>,
      %parallel_loop3A_202 = vector.shape_cast %parallel_loop3A_201 : vector<16xf32> to vector<16xf32>
      %parallel_loop3A_203 = vector.shape_cast %parallel_loop3A_199 : vector<16xf32> to vector<16xf32>
      tpu.vector_store %arg9[%parallel_loop3A_200], %parallel_loop3A_203 {strides = array<i32>} : memref<6400xf32, #tpu.memory_space<vmem>>, vector<16xf32>,
    } {sc.loop_unroll_factor = 10 : i64, sc.parallel_access}
    %add3A_95 = arith.constant 3200 : i32
    %add3A_96 = arith.addi %min3A_1, %add3A_95 : i32
    %dma_start3A_97 = arith.constant 3200 : i32
    %dma_start3A_98 = tpu.memref_slice %arg8[%dma_start3A_97] : memref<6400xf32, #tpu.memory_space<vmem>> -> memref<1600xf32, #tpu.memory_space<vmem>>
    %dma_start3A_99 = tpu.memref_slice %arg5[%add3A_96] : memref<100000xf32, #tpu.memory_space<hbm>> -> memref<1600xf32, #tpu.memory_space<hbm>>
    %dma_start3A_100 = tpu.memref_slice %arg5[%add3A_96] : memref<100000xf32, #tpu.memory_space<hbm>> -> memref<1600xf32, #tpu.memory_space<hbm>>
    %dma_start3A_101 = arith.constant 3200 : i32
    %dma_start3A_102 = tpu.memref_slice %arg8[%dma_start3A_101] : memref<6400xf32, #tpu.memory_space<vmem>> -> memref<1600xf32, #tpu.memory_space<vmem>>
    tpu.enqueue_dma source(%dma_start3A_102 : memref<1600xf32, #tpu.memory_space<vmem>>) target(%dma_start3A_100 : memref<1600xf32, #tpu.memory_space<hbm>>) target_semaphore(%arg17 : memref<!tpu.dma_semaphore, #tpu.memory_space<semaphore_mem>>)
    %add3A_103 = arith.constant 3200 : i32
    %add3A_104 = arith.addi %min3A_1, %add3A_103 : i32
    %dma_start3A_105 = arith.constant 3200 : i32
    %dma_start3A_106 = tpu.memref_slice %arg9[%dma_start3A_105] : memref<6400xf32, #tpu.memory_space<vmem>> -> memref<1600xf32, #tpu.memory_space<vmem>>
    %dma_start3A_107 = tpu.memref_slice %arg6[%add3A_104] : memref<100000xf32, #tpu.memory_space<hbm>> -> memref<1600xf32, #tpu.memory_space<hbm>>
    %dma_start3A_108 = tpu.memref_slice %arg6[%add3A_104] : memref<100000xf32, #tpu.memory_space<hbm>> -> memref<1600xf32, #tpu.memory_space<hbm>>
    %dma_start3A_109 = arith.constant 3200 : i32
    %dma_start3A_110 = tpu.memref_slice %arg9[%dma_start3A_109] : memref<6400xf32, #tpu.memory_space<vmem>> -> memref<1600xf32, #tpu.memory_space<vmem>>
    tpu.enqueue_dma source(%dma_start3A_110 : memref<1600xf32, #tpu.memory_space<vmem>>) target(%dma_start3A_108 : memref<1600xf32, #tpu.memory_space<hbm>>) target_semaphore(%arg17 : memref<!tpu.dma_semaphore, #tpu.memory_space<semaphore_mem>>)
    %dma_wait3A_111 = arith.constant 4800 : i32
    %dma_wait3A_112 = tpu.memref_slice %arg7[%dma_wait3A_111] : memref<6400xi32, #tpu.memory_space<vmem>> -> memref<1600xi32, #tpu.memory_space<vmem>>
    %dma_wait3A_113 = tpu.memref_slice %arg2[%add3A_26] : memref<100000xi32, #tpu.memory_space<hbm>> -> memref<1600xi32, #tpu.memory_space<hbm>>
    %dma_wait3A_114 = arith.constant 4800 : i32
    %dma_wait3A_115 = tpu.memref_slice %arg7[%dma_wait3A_114] : memref<6400xi32, #tpu.memory_space<vmem>> -> memref<1600xi32, #tpu.memory_space<vmem>>
    %dma_wait3A_116 = tpu.memref_slice %arg2[%add3A_26] : memref<100000xi32, #tpu.memory_space<hbm>> -> memref<1600xi32, #tpu.memory_space<hbm>>
    tpu.wait_dma2 semaphore(%arg16 : memref<!tpu.dma_semaphore, #tpu.memory_space<semaphore_mem>>) src(%dma_wait3A_116 : memref<1600xi32, #tpu.memory_space<hbm>>) dst(%dma_wait3A_115 : memref<1600xi32, #tpu.memory_space<vmem>>)
    %parallel_loop3A_117 = arith.constant 300 : i32
    %parallel_loop3A_118 = arith.constant 400 : i32
    %parallel_loop3A_119 = arith.constant 1 : i32
    scf.for %parallel_loop3A_184 = %parallel_loop3A_117 to %parallel_loop3A_118 step %parallel_loop3A_119  : i32 {
      %parallel_loop3A_185 = arith.constant 16 : i32
      %parallel_loop3A_186 = arith.muli %parallel_loop3A_184, %parallel_loop3A_185 : i32
      %parallel_loop3A_187 = arith.index_cast %parallel_loop3A_186 : i32 to index
      %parallel_loop3A_188 = tpu.vector_load %arg7[%parallel_loop3A_187] {strides = array<i32>} : memref<6400xi32, #tpu.memory_space<vmem>>, vector<16xi32>,
      %parallel_loop3A_189 = vector.shape_cast %parallel_loop3A_188 : vector<16xi32> to vector<16xi32>
      %parallel_loop3A_190 = vector.shape_cast %parallel_loop3A_189 : vector<16xi32> to vector<16x1xi32>
      %parallel_loop3A_191 = vector.shape_cast %parallel_loop3A_190 : vector<16x1xi32> to vector<16xi32>
      %parallel_loop3A_192 = tpu.dynamic_gather %get3A_34[%parallel_loop3A_191] in [0] : vector<16xf32>, vector<16xi32> -> vector<16xf32>
      %parallel_loop3A_193 = arith.index_cast %parallel_loop3A_186 : i32 to index
      %parallel_loop3A_194 = tpu.vector_load %arg8[%parallel_loop3A_193] {strides = array<i32>} : memref<6400xf32, #tpu.memory_space<vmem>>, vector<16xf32>,
      %parallel_loop3A_195 = vector.shape_cast %parallel_loop3A_194 : vector<16xf32> to vector<16xf32>
      %parallel_loop3A_196 = vector.shape_cast %parallel_loop3A_192 : vector<16xf32> to vector<16xf32>
      tpu.vector_store %arg8[%parallel_loop3A_193], %parallel_loop3A_196 {strides = array<i32>} : memref<6400xf32, #tpu.memory_space<vmem>>, vector<16xf32>,
      %parallel_loop3A_197 = vector.shape_cast %parallel_loop3A_189 : vector<16xi32> to vector<16x1xi32>
      %parallel_loop3A_198 = vector.shape_cast %parallel_loop3A_197 : vector<16x1xi32> to vector<16xi32>
      %parallel_loop3A_199 = tpu.dynamic_gather %get3A_37[%parallel_loop3A_198] in [0] : vector<16xf32>, vector<16xi32> -> vector<16xf32>
      %parallel_loop3A_200 = arith.index_cast %parallel_loop3A_186 : i32 to index
      %parallel_loop3A_201 = tpu.vector_load %arg9[%parallel_loop3A_200] {strides = array<i32>} : memref<6400xf32, #tpu.memory_space<vmem>>, vector<16xf32>,
      %parallel_loop3A_202 = vector.shape_cast %parallel_loop3A_201 : vector<16xf32> to vector<16xf32>
      %parallel_loop3A_203 = vector.shape_cast %parallel_loop3A_199 : vector<16xf32> to vector<16xf32>
      tpu.vector_store %arg9[%parallel_loop3A_200], %parallel_loop3A_203 {strides = array<i32>} : memref<6400xf32, #tpu.memory_space<vmem>>, vector<16xf32>,
    } {sc.loop_unroll_factor = 10 : i64, sc.parallel_access}
    %add3A_120 = arith.constant 4800 : i32
    %add3A_121 = arith.addi %min3A_1, %add3A_120 : i32
    %dma_start3A_122 = arith.constant 4800 : i32
    %dma_start3A_123 = tpu.memref_slice %arg8[%dma_start3A_122] : memref<6400xf32, #tpu.memory_space<vmem>> -> memref<1600xf32, #tpu.memory_space<vmem>>
    %dma_start3A_124 = tpu.memref_slice %arg5[%add3A_121] : memref<100000xf32, #tpu.memory_space<hbm>> -> memref<1600xf32, #tpu.memory_space<hbm>>
    %dma_start3A_125 = tpu.memref_slice %arg5[%add3A_121] : memref<100000xf32, #tpu.memory_space<hbm>> -> memref<1600xf32, #tpu.memory_space<hbm>>
    %dma_start3A_126 = arith.constant 4800 : i32
    %dma_start3A_127 = tpu.memref_slice %arg8[%dma_start3A_126] : memref<6400xf32, #tpu.memory_space<vmem>> -> memref<1600xf32, #tpu.memory_space<vmem>>
    tpu.enqueue_dma source(%dma_start3A_127 : memref<1600xf32, #tpu.memory_space<vmem>>) target(%dma_start3A_125 : memref<1600xf32, #tpu.memory_space<hbm>>) target_semaphore(%arg17 : memref<!tpu.dma_semaphore, #tpu.memory_space<semaphore_mem>>)
    %add3A_128 = arith.constant 4800 : i32
    %add3A_129 = arith.addi %min3A_1, %add3A_128 : i32
    %dma_start3A_130 = arith.constant 4800 : i32
    %dma_start3A_131 = tpu.memref_slice %arg9[%dma_start3A_130] : memref<6400xf32, #tpu.memory_space<vmem>> -> memref<1600xf32, #tpu.memory_space<vmem>>
    %dma_start3A_132 = tpu.memref_slice %arg6[%add3A_129] : memref<100000xf32, #tpu.memory_space<hbm>> -> memref<1600xf32, #tpu.memory_space<hbm>>
    %dma_start3A_133 = tpu.memref_slice %arg6[%add3A_129] : memref<100000xf32, #tpu.memory_space<hbm>> -> memref<1600xf32, #tpu.memory_space<hbm>>
    %dma_start3A_134 = arith.constant 4800 : i32
    %dma_start3A_135 = tpu.memref_slice %arg9[%dma_start3A_134] : memref<6400xf32, #tpu.memory_space<vmem>> -> memref<1600xf32, #tpu.memory_space<vmem>>
    tpu.enqueue_dma source(%dma_start3A_135 : memref<1600xf32, #tpu.memory_space<vmem>>) target(%dma_start3A_133 : memref<1600xf32, #tpu.memory_space<hbm>>) target_semaphore(%arg17 : memref<!tpu.dma_semaphore, #tpu.memory_space<semaphore_mem>>)
    %dma_wait3A_136 = arith.constant 0 : i32
    %dma_wait3A_137 = tpu.memref_slice %arg8[%dma_wait3A_136] : memref<6400xf32, #tpu.memory_space<vmem>> -> memref<1600xf32, #tpu.memory_space<vmem>>
    %dma_wait3A_138 = tpu.memref_slice %arg5[%add3A_46] : memref<100000xf32, #tpu.memory_space<hbm>> -> memref<1600xf32, #tpu.memory_space<hbm>>
    %dma_wait3A_139 = tpu.memref_slice %arg5[%add3A_46] : memref<100000xf32, #tpu.memory_space<hbm>> -> memref<1600xf32, #tpu.memory_space<hbm>>
    %dma_wait3A_140 = arith.constant 0 : i32
    %dma_wait3A_141 = tpu.memref_slice %arg8[%dma_wait3A_140] : memref<6400xf32, #tpu.memory_space<vmem>> -> memref<1600xf32, #tpu.memory_space<vmem>>
    tpu.wait_dma2 semaphore(%arg17 : memref<!tpu.dma_semaphore, #tpu.memory_space<semaphore_mem>>) src(%dma_wait3A_141 : memref<1600xf32, #tpu.memory_space<vmem>>) dst(%dma_wait3A_139 : memref<1600xf32, #tpu.memory_space<hbm>>)
    %dma_wait3A_142 = arith.constant 0 : i32
    %dma_wait3A_143 = tpu.memref_slice %arg9[%dma_wait3A_142] : memref<6400xf32, #tpu.memory_space<vmem>> -> memref<1600xf32, #tpu.memory_space<vmem>>
    %dma_wait3A_144 = tpu.memref_slice %arg6[%add3A_54] : memref<100000xf32, #tpu.memory_space<hbm>> -> memref<1600xf32, #tpu.memory_space<hbm>>
    %dma_wait3A_145 = tpu.memref_slice %arg6[%add3A_54] : memref<100000xf32, #tpu.memory_space<hbm>> -> memref<1600xf32, #tpu.memory_space<hbm>>
    %dma_wait3A_146 = arith.constant 0 : i32
    %dma_wait3A_147 = tpu.memref_slice %arg9[%dma_wait3A_146] : memref<6400xf32, #tpu.memory_space<vmem>> -> memref<1600xf32, #tpu.memory_space<vmem>>
    tpu.wait_dma2 semaphore(%arg17 : memref<!tpu.dma_semaphore, #tpu.memory_space<semaphore_mem>>) src(%dma_wait3A_147 : memref<1600xf32, #tpu.memory_space<vmem>>) dst(%dma_wait3A_145 : memref<1600xf32, #tpu.memory_space<hbm>>)
    %dma_wait3A_148 = arith.constant 1600 : i32
    %dma_wait3A_149 = tpu.memref_slice %arg8[%dma_wait3A_148] : memref<6400xf32, #tpu.memory_space<vmem>> -> memref<1600xf32, #tpu.memory_space<vmem>>
    %dma_wait3A_150 = tpu.memref_slice %arg5[%add3A_71] : memref<100000xf32, #tpu.memory_space<hbm>> -> memref<1600xf32, #tpu.memory_space<hbm>>
    %dma_wait3A_151 = tpu.memref_slice %arg5[%add3A_71] : memref<100000xf32, #tpu.memory_space<hbm>> -> memref<1600xf32, #tpu.memory_space<hbm>>
    %dma_wait3A_152 = arith.constant 1600 : i32
    %dma_wait3A_153 = tpu.memref_slice %arg8[%dma_wait3A_152] : memref<6400xf32, #tpu.memory_space<vmem>> -> memref<1600xf32, #tpu.memory_space<vmem>>
    tpu.wait_dma2 semaphore(%arg17 : memref<!tpu.dma_semaphore, #tpu.memory_space<semaphore_mem>>) src(%dma_wait3A_153 : memref<1600xf32, #tpu.memory_space<vmem>>) dst(%dma_wait3A_151 : memref<1600xf32, #tpu.memory_space<hbm>>)
    %dma_wait3A_154 = arith.constant 1600 : i32
    %dma_wait3A_155 = tpu.memref_slice %arg9[%dma_wait3A_154] : memref<6400xf32, #tpu.memory_space<vmem>> -> memref<1600xf32, #tpu.memory_space<vmem>>
    %dma_wait3A_156 = tpu.memref_slice %arg6[%add3A_79] : memref<100000xf32, #tpu.memory_space<hbm>> -> memref<1600xf32, #tpu.memory_space<hbm>>
    %dma_wait3A_157 = tpu.memref_slice %arg6[%add3A_79] : memref<100000xf32, #tpu.memory_space<hbm>> -> memref<1600xf32, #tpu.memory_space<hbm>>
    %dma_wait3A_158 = arith.constant 1600 : i32
    %dma_wait3A_159 = tpu.memref_slice %arg9[%dma_wait3A_158] : memref<6400xf32, #tpu.memory_space<vmem>> -> memref<1600xf32, #tpu.memory_space<vmem>>
    tpu.wait_dma2 semaphore(%arg17 : memref<!tpu.dma_semaphore, #tpu.memory_space<semaphore_mem>>) src(%dma_wait3A_159 : memref<1600xf32, #tpu.memory_space<vmem>>) dst(%dma_wait3A_157 : memref<1600xf32, #tpu.memory_space<hbm>>)
    %dma_wait3A_160 = arith.constant 3200 : i32
    %dma_wait3A_161 = tpu.memref_slice %arg8[%dma_wait3A_160] : memref<6400xf32, #tpu.memory_space<vmem>> -> memref<1600xf32, #tpu.memory_space<vmem>>
    %dma_wait3A_162 = tpu.memref_slice %arg5[%add3A_96] : memref<100000xf32, #tpu.memory_space<hbm>> -> memref<1600xf32, #tpu.memory_space<hbm>>
    %dma_wait3A_163 = tpu.memref_slice %arg5[%add3A_96] : memref<100000xf32, #tpu.memory_space<hbm>> -> memref<1600xf32, #tpu.memory_space<hbm>>
    %dma_wait3A_164 = arith.constant 3200 : i32
    %dma_wait3A_165 = tpu.memref_slice %arg8[%dma_wait3A_164] : memref<6400xf32, #tpu.memory_space<vmem>> -> memref<1600xf32, #tpu.memory_space<vmem>>
    tpu.wait_dma2 semaphore(%arg17 : memref<!tpu.dma_semaphore, #tpu.memory_space<semaphore_mem>>) src(%dma_wait3A_165 : memref<1600xf32, #tpu.memory_space<vmem>>) dst(%dma_wait3A_163 : memref<1600xf32, #tpu.memory_space<hbm>>)
    %dma_wait3A_166 = arith.constant 3200 : i32
    %dma_wait3A_167 = tpu.memref_slice %arg9[%dma_wait3A_166] : memref<6400xf32, #tpu.memory_space<vmem>> -> memref<1600xf32, #tpu.memory_space<vmem>>
    %dma_wait3A_168 = tpu.memref_slice %arg6[%add3A_104] : memref<100000xf32, #tpu.memory_space<hbm>> -> memref<1600xf32, #tpu.memory_space<hbm>>
    %dma_wait3A_169 = tpu.memref_slice %arg6[%add3A_104] : memref<100000xf32, #tpu.memory_space<hbm>> -> memref<1600xf32, #tpu.memory_space<hbm>>
    %dma_wait3A_170 = arith.constant 3200 : i32
    %dma_wait3A_171 = tpu.memref_slice %arg9[%dma_wait3A_170] : memref<6400xf32, #tpu.memory_space<vmem>> -> memref<1600xf32, #tpu.memory_space<vmem>>
    tpu.wait_dma2 semaphore(%arg17 : memref<!tpu.dma_semaphore, #tpu.memory_space<semaphore_mem>>) src(%dma_wait3A_171 : memref<1600xf32, #tpu.memory_space<vmem>>) dst(%dma_wait3A_169 : memref<1600xf32, #tpu.memory_space<hbm>>)
    %dma_wait3A_172 = arith.constant 4800 : i32
    %dma_wait3A_173 = tpu.memref_slice %arg8[%dma_wait3A_172] : memref<6400xf32, #tpu.memory_space<vmem>> -> memref<1600xf32, #tpu.memory_space<vmem>>
    %dma_wait3A_174 = tpu.memref_slice %arg5[%add3A_121] : memref<100000xf32, #tpu.memory_space<hbm>> -> memref<1600xf32, #tpu.memory_space<hbm>>
    %dma_wait3A_175 = tpu.memref_slice %arg5[%add3A_121] : memref<100000xf32, #tpu.memory_space<hbm>> -> memref<1600xf32, #tpu.memory_space<hbm>>
    %dma_wait3A_176 = arith.constant 4800 : i32
    %dma_wait3A_177 = tpu.memref_slice %arg8[%dma_wait3A_176] : memref<6400xf32, #tpu.memory_space<vmem>> -> memref<1600xf32, #tpu.memory_space<vmem>>
    tpu.wait_dma2 semaphore(%arg17 : memref<!tpu.dma_semaphore, #tpu.memory_space<semaphore_mem>>) src(%dma_wait3A_177 : memref<1600xf32, #tpu.memory_space<vmem>>) dst(%dma_wait3A_175 : memref<1600xf32, #tpu.memory_space<hbm>>)
    %dma_wait3A_178 = arith.constant 4800 : i32
    %dma_wait3A_179 = tpu.memref_slice %arg9[%dma_wait3A_178] : memref<6400xf32, #tpu.memory_space<vmem>> -> memref<1600xf32, #tpu.memory_space<vmem>>
    %dma_wait3A_180 = tpu.memref_slice %arg6[%add3A_129] : memref<100000xf32, #tpu.memory_space<hbm>> -> memref<1600xf32, #tpu.memory_space<hbm>>
    %dma_wait3A_181 = tpu.memref_slice %arg6[%add3A_129] : memref<100000xf32, #tpu.memory_space<hbm>> -> memref<1600xf32, #tpu.memory_space<hbm>>
    %dma_wait3A_182 = arith.constant 4800 : i32
    %dma_wait3A_183 = tpu.memref_slice %arg9[%dma_wait3A_182] : memref<6400xf32, #tpu.memory_space<vmem>> -> memref<1600xf32, #tpu.memory_space<vmem>>
    tpu.wait_dma2 semaphore(%arg17 : memref<!tpu.dma_semaphore, #tpu.memory_space<semaphore_mem>>) src(%dma_wait3A_183 : memref<1600xf32, #tpu.memory_space<vmem>>) dst(%dma_wait3A_181 : memref<1600xf32, #tpu.memory_space<hbm>>)
    return
  }
}

</mosaic_0001>

<sc_bundles>
// kernel: _rescale.3.cloned.1.call-start
scs
__scs_entry_jumppad:
0x0: {  	(pc) =	sbr.rel $0x88, $3  }
0x1: {  	(tag) =	ssettag $0x0;
	lr =	simm.s32 $0x1  }
0x2: {  	[smem:$0x3F9D] =	sst lr;
	_ =	strace $0xD0000000  }
0x3: {  	_ = 	snop  }
0x4: {  	_ = 	snop  }
0x5: {  	_ = 	snop  }
0x6: {  	_ = 	snop  }
0x7: {  	_ = 	snop  }
__scs_overlays_trampoline_lowered:
0x8: {  	[smem:$0x3FAC] =	sst s0  }
0x9: {  	[smem:$0x3FAD] =	sst s1  }
0xa: {  	[smem:$0x3FAE] =	sst s2  }
0xb: {  	[smem:$0x3FAF] =	sst s3  }
0xc: {  	[smem:$0x3FB0] =	sst s4  }
0xd: {  	[smem:$0x3FB1] =	sst s5  }
0xe: {  	[smem:$0x3FB2] =	sst s6  }
0xf: {  	[smem:$0x3FB3] =	sst s7  }
0x10: {  	[smem:$0x3FB4] =	sst s8  }
0x11: {  	[smem:$0x3FB5] =	sst s9;
	s0 =	simm.s32 @!p0 $0x0  }
0x12: {  	s1 =	sld [smem:$0x3F9B];
	s0 =	simm.s32 @p0 $0x1  }
0x13: {  	[smem:$0x3FB6] =	sst s0;
	s0 =	simm.s32 @!p1 $0x0  }
0x14: {  	s2 =	sld [smem:$0x3F9A];
	s0 =	simm.s32 @p1 $0x1  }
0x15: {  	[smem:$0x3FB7] =	sst s0;
	s0 =	simm.s32 @!p2 $0x0  }
0x16: {  	s3 =	sld [smem:$0x3FDB];
	s0 =	simm.s32 @p2 $0x1  }
0x17: {  	s4 =	simm.s32 $0x1BF5;
	[smem:$0x3FB9] =	sst s0  }
0x18: {  	s0 =	sld [smem:$0x3F9C];
	_ =	swait.ge [sflag:s4], $0x0  }
0x19: {  	s7 =	sld [smem:$0x3F9D]  }
0x1a: {  	s8 =	sadd.s32 $0xFFFFE003, lr  }
0x1b: {  	s9 =	sadd.s32 $0xFFFFFEF7, lr;
	s5 =	simm.s32 $0xFFFFFFFF;
	p2 =	slt.u32 s8, $0xFFFFF086  }
0x1c: {  	p1 =	slt.u32 s9, $0xF7A;
	s5 =	simm.s32 @!p2 $0x0  }
0x1d: {  	s5 =	simm.s32 @p1 $0x1;
	p0 =	seq.s32 s7, s2  }
0x1e: {  	s7 =	smul.u32 @!p0 $0xF7A, s2;
	p2 =	seq.s32 @!p0 s5, $0x0  }
0x1f: {  	s9 =	smul.u32 $0xF7A, s1;
	s8 =	simm.s32 @!p0 $0x1BF5;
	p2 =	por !p2, p0  }
0x20: {  	[sflag:s8] =	ssyncset.s32 @!p0 $0xFFFFF086;
	s6 =	sadd.s32 @!p0 s3, s7;
	s7 =	simm.s32 @!p0 $0x108  }
0x21: {  	s3 =	sadd.s32 s3, s9;
	s6 =	sadd.s32 @!p0 $0x88, s6;
	s7 =	simm.s32 @p2 $0x1082  }
0x22: {  	[simem:s7], [sflag:s8] =	dma.local @!p0 [hbm:s6], $0xF7A  }
0x23: {  	s9 =	sor.u32 $0xD0000000, s2;
	s6 =	simm.s32 $0x108;
	_ =	swait.ge @!p0 [sflag:s8], $0x0  }
0x24: {  	s3 =	sadd.s32 $0x88, s3;
	s6 =	simm.s32 @!p1 $0x1082;
	[sflag:s4] =	ssyncset.s32 $0xFFFFF086  }
0x25: {  	[simem:s6], [sflag:s4] =	dma.local [hbm:s3], $0xF7A  }
0x26: {  	[smem:$0x3F9D] =	sst s1;
	(tag) =	ssettag s2;
	_ =	strace s9  }
0x27: {  	s1 =	sld [smem:$0x3FAD]  }
0x28: {  	s2 =	sld [smem:$0x3FAE]  }
0x29: {  	s4 =	sld [smem:$0x3FB0]  }
0x2a: {  	p0 =	seq.s32 s5, $0x0;
	s5 =	sld [smem:$0x3FB1]  }
0x2b: {  	s6 =	sld [smem:$0x3FB2]  }
0x2c: {  	s7 =	sld [smem:$0x3FB3]  }
0x2d: {  	s3 =	simm.s32 $0x108;
	s8 =	sld [smem:$0x3FB4]  }
0x2e: {  	s3 =	simm.s32 @!p0 $0x1082;
	s9 =	sld [smem:$0x3FB5]  }
0x2f: {  	lr =	sadd.s32 s0, s3;
	s0 =	sld [smem:$0x3FAC]  }
0x30: {  	s3 =	sld [smem:$0x3FAF]  }
0x31: {  	[smem:$0x3FB8] =	sst s10  }
0x32: {  	s10 =	sld [smem:$0x3FB6];
	_ =	sdelay $0x3  }
0x33: {  	p0 =	seq.s32 s10, $0x1;
	s10 =	sld [smem:$0x3FB8];
	_ =	sdelay $0x3  }
0x34: {  	[smem:$0x3FB8] =	sst s10  }
0x35: {  	s10 =	sld [smem:$0x3FB7];
	_ =	sdelay $0x3  }
0x36: {  	p1 =	seq.s32 s10, $0x1;
	s10 =	sld [smem:$0x3FB8];
	_ =	sdelay $0x3  }
0x37: {  	[smem:$0x3FB8] =	sst s10  }
0x38: {  	s10 =	sld [smem:$0x3FB9]  }
0x39: {  	_ = 	snop;
	(pc) =	sbr.ind lr, $3  }
0x3a: {  	_ = 	snop  }
0x3b: {  	_ = 	snop  }
0x3c: {  	p2 =	seq.s32 s10, $0x1;
	s10 =	sld [smem:$0x3FB8]  }
0x3d: {  	_ =	shalt  }
0x3e: {  	_ =	shalt  }
0x3f: {  	_ =	shalt  }
0x40: {  	_ =	shalt  }
0x41: {  	_ =	shalt  }
0x42: {  	_ =	shalt  }
0x43: {  	_ =	shalt  }
0x44: {  	_ =	shalt  }
0x45: {  	_ =	shalt  }
0x46: {  	_ =	shalt  }
0x47: {  	_ =	shalt  }
0x48: {  	_ =	shalt  }
0x49: {  	_ =	shalt  }
0x4a: {  	_ =	shalt  }
0x4b: {  	_ =	shalt  }
0x4c: {  	_ =	shalt  }
0x4d: {  	_ =	shalt  }
0x4e: {  	_ =	shalt  }
0x4f: {  	_ =	shalt  }
0x50: {  	_ =	shalt  }
0x51: {  	_ =	shalt  }
0x52: {  	_ =	shalt  }
0x53: {  	_ =	shalt  }
0x54: {  	_ =	shalt  }
0x55: {  	_ =	shalt  }
0x56: {  	_ =	shalt  }
0x57: {  	_ =	shalt  }
0x58: {  	_ =	shalt  }
0x59: {  	_ =	shalt  }
0x5a: {  	_ =	shalt  }
0x5b: {  	_ =	shalt  }
0x5c: {  	_ =	shalt  }
0x5d: {  	_ =	shalt  }
0x5e: {  	_ =	shalt  }
0x5f: {  	_ =	shalt  }
0x60: {  	_ =	shalt  }
0x61: {  	_ =	shalt  }
0x62: {  	_ =	shalt  }
0x63: {  	_ =	shalt  }
0x64: {  	_ =	shalt  }
0x65: {  	_ =	shalt  }
0x66: {  	_ =	shalt  }
0x67: {  	_ =	shalt  }
0x68: {  	_ =	shalt  }
0x69: {  	_ =	shalt  }
0x6a: {  	_ =	shalt  }
0x6b: {  	_ =	shalt  }
0x6c: {  	_ =	shalt  }
0x6d: {  	_ =	shalt  }
0x6e: {  	_ =	shalt  }
0x6f: {  	_ =	shalt  }
0x70: {  	_ =	shalt  }
0x71: {  	_ =	shalt  }
0x72: {  	_ =	shalt  }
0x73: {  	_ =	shalt  }
0x74: {  	_ =	shalt  }
0x75: {  	_ =	shalt  }
0x76: {  	_ =	shalt  }
0x77: {  	_ =	shalt  }
0x78: {  	_ =	shalt  }
0x79: {  	_ =	shalt  }
0x7a: {  	_ =	shalt  }
0x7b: {  	_ =	shalt  }
0x7c: {  	_ =	shalt  }
0x7d: {  	_ =	shalt  }
0x7e: {  	_ =	shalt  }
0x7f: {  	_ =	shalt  }
0x80: {  	_ =	shalt  }
0x81: {  	_ =	shalt  }
0x82: {  	_ =	shalt  }
0x83: {  	_ =	shalt  }
0x84: {  	_ =	shalt  }
0x85: {  	_ =	shalt  }
0x86: {  	_ =	shalt  }
0x87: {  	_ =	shalt  }
.Lfunc_end0:
.L_simem_size_0:
called_computation_lowered:
.L_overlay_start_0:
0x88: {  	s0 =	sld [smem:$0x3FD9]  }
0x89: {  	s1 =	sld [smem:$0x3FFE];
	_ =	sdelay $0x3  }
0x8a: {  	s0 =	sadd.s32 s1, s0  }
0x8b: {  	[smem:$0x3FC4] =	sst s0  }
0x8c: {  	_ = 	snop  }
0x8d: {  	s0 =	sld [smem:$0x3FC8]  }
0x8e: {  	s16 =	sld [smem:$0x3FC7]  }
0x8f: {  	s2 =	sld [smem:$0x3FC6];
	(tm) =	ssettm $0x1  }
0x90: {  	s3 =	sld [smem:$0x3FFB];
	_ =	sdelay $0x3  }
0x91: {  	_ =	strace s3  }
0x92: {  	s3 =	sld [smem:$0x3FFC];
	_ =	sdelay $0x3  }
0x93: {  	_ =	strace s3  }
0x94: {  	s3 =	sld [smem:$0x3FFD];
	_ =	sdelay $0x3  }
0x95: {  	_ =	strace s3  }
0x96: {  	_ =	strace $0x8FFFFFFF  }
0x97: {  	s17 =	sld [smem:$0x3FDB];
	_ =	sdelay $0x1  }
0x98: {  	s4 =	simm.s32 $_scs_section_size  }
0x99: {  	s5 =	simm.s32 $_size__tile_overlayer_lowered;
	s6 =	simm.s32 $_tile_overlayer_lowered  }
0x9a: {  	s20 =	simm.s32 $0x1BFF;
	s19 =	sshll.u32 s6, $0x1;
	s3 =	sadd.s32 s4, s17  }
0x9b: {  	s7 =	simm.s32 $0x0;
	s18 =	sshll.u32 s5, $0x1;
	s5 =	sadd.s32 s19, s3  }
0x9c: {  	[timem:s7], [sflag:s20] =	dma.local [hbm:s5], s18  }
0x9d: {  	_ =	swait.ge [sflag:s20], s18  }
0x9e: {  	s4 =	ssub.s32 $0x0, s18;
	[sflag:s20] =	ssyncset.done $0x0  }
0x9f: {  	[sflag:s20] =	ssyncadd.s32 s4;
	_ =	sdelay $0x1  }
0xa0: {  	s21 =	simm.s32 $0x1B8B  }
0xa1: {  	_ =	swait.ge [sflag:s21], $0x1  }
0xa2: {  	[sflag:s21] =	ssyncset.done $0x0  }
0xa3: {  	s23 =	simm.s32 $0x1B8E;
	s22 =	sld [smem:$0x3FFE];
	[sflag:s21] =	ssyncadd.s32 $0xFFFFFFFF  }
0xa4: {  	s24 =	simm.s32 $execute0_lowered;
	[smem:$0x3FD2] =	sst s23  }
0xa5: {  	s5 =	sshll.u32 s24, $0x1;
	_ =	strace $0x80000046;
	[dreg:$0x1] =	wrdreg $0xFFFFFFFF  }
0xa6: {  	s25 =	simm.s32 $_size_execute0_lowered;
	s3 =	sadd.s32 s3, s5;
	[dreg:$0x0] =	wrdreg $0x0  }
0xa7: {  	s5 =	sshll.u32 s25, $0x1;
	[dreg:$0x2] =	wrdreg s3  }
0xa8: {  	[dreg:$0x3] =	wrdreg s5  }
0xa9: {  	[dreg:$0x4] =	wrdreg $0xC0  }
0xaa: {  	_ =	task [dreg:s7], $0x5FFFF  }
0xab: {  	[dreg:$0x1] =	wrdreg $0xFFFFFFFF  }
0xac: {  	[dreg:$0x0] =	wrdreg $0x60  }
0xad: {  	[dreg:$0x2] =	wrdreg s0  }
0xae: {  	[dreg:$0x3] =	wrdreg s16  }
0xaf: {  	[dreg:$0x4] =	wrdreg s2  }
0xb0: {  	[dreg:$0x5] =	wrdreg s22  }
0xb1: {  	[dreg:$0x6] =	wrdreg $0x9  }
0xb2: {  	_ =	task.clear_ibuf [dreg:s7], $0x7FFFF;
	_ =	strace $0x90000046  }
0xb3: {  	s26 =	simm.s32 $0x9;
	_ =	strace $0x80000048  }
0xb4: {  	_ =	swait.ge [sflag:s26], $0x1  }
0xb5: {  	[sflag:s26] =	ssyncadd.s32 $0xFFFFFFFF  }
0xb6: {  	_ =	strace $0x90000048  }
0xb7: {  	_ =	sfence  }
0xb8: {  	s28 =	sld [smem:$0x0];
	_ =	sdelay $0x1  }
0xb9: {  	s29 =	srdreg.scid  }
0xba: {  	s30 =	sshll.u32 s29, $0xD;
	s31 =	sshrl.u32 s29, $0x2  }
0xbb: {  	s1 =	sand.u32 $0x1, s29;
	s2 =	sand.u32 $0x4000, s30;
	s0 =	sadd.s32 s31, s28  }
0xbc: {  	s1 =	sor.u32 s2, s1;
	s0 =	sshll.u32 s0, $0x11  }
0xbd: {  	s0 =	sor.u32 s0, s1  }
0xbe: {  	s0 =	sadd.s32 $0x8F2B, s0  }
0xbf: {  	[sflag:s0] =	ssyncadd.remote.s32 $0x1  }
0xc0: {  	_ =	sfence.sel $0xFFFF  }
0xc1: {  	[dreg:$0x0] =	wrdreg $0xFFFFFFFF;
	(pc) =	sbr.abs _section_cstart, $3  }
0xc2: {  	[dreg:$0x1] =	wrdreg $0xFFFFFFFF  }
0xc3: {  	_ =	task.clear_ibuf [dreg:s7], $0x2FFFF;
	_ =	strace $0x9FFFFFFF  }
0xc4: {  	(tm) =	ssettm $0x7FFFFFFF  }
0xc5: {  	_ =	shalt  }
tec
execute0_lowered:
.L_overlay_start_1:
0x0: {  	(tag) =	ssettag $0x1  }
0x1: {  	s3 =	rddreg [dreg:$0x0]  }
0x2: {  	s2 =	rddreg [dreg:$0x1]  }
0x3: {  	s5 =	rddreg [dreg:$0x2]  }
0x4: {  	s4 =	rddreg [dreg:$0x3];
	s1 =	stileid.u32  }
0x5: {  	s0 =	rddreg [dreg:$0x4];
	s8 =	simm.s32 $0x0;
	s6 =	smul.u32 $0x1900, s1  }
0x6: {  	[smem:$0x7FF] =	sst s8  }
0x7: {  	s7 =	simm.s32 $0x4B00;
	_ =	strace $0x80000047;
	s6 =	smin.u32 s6, $0x16DA0  }
0x8: {  	[tilespmem:s7], [sflag:$0x1] =	stream.linear.gather [hbm4b:s2+s8], $0x80, $0x38;
	[tilespmem:$0x4C00] =	vst v63  }
0x9: {  	s23 =	simm.s32 $0x4B80;
	s7 =	sshrl.u32 s6, $0x3  }
0xa: {  	[tilespmem:s23], [sflag:$0x1] =	stream.linear.gather [hbm4b:s5+s8], $0x80, $0x38;
	[tilespmem:$0x4C00] =	vst v63  }
0xb: {  	s24 =	sadd.s32 s3, s7;
	s6 =	sadd.s32 $0xC8, s7  }
0xc: {  	[tilespmem:s8], [sflag:$0x2] =	stream.linear.gather [hbm4b:s24+s8], $0x640, $0x38;
	[tilespmem:$0x4C00] =	vst v63  }
0xd: {  	s9 =	simm.s32 $0x640;
	s5 =	sadd.s32 $0x190, s7;
	s25 =	sadd.s32 s3, s6  }
0xe: {  	[tilespmem:s9], [sflag:$0x3] =	stream.linear.gather [hbm4b:s25+s8], $0x640, $0x38;
	[tilespmem:$0x4C00] =	vst v63  }
0xf: {  	s10 =	simm.s32 $0xC80;
	s2 =	sadd.s32 $0x258, s7;
	s26 =	sadd.s32 s3, s5  }
0x10: {  	[tilespmem:s10], [sflag:$0x4] =	stream.linear.gather [hbm4b:s26+s8], $0x640, $0x38;
	[tilespmem:$0x4C00] =	vst v63  }
0x11: {  	s28 =	simm.s32 $0x12C0;
	s29 =	simm.s32 $0x1;
	s3 =	sadd.s32 s3, s2  }
0x12: {  	[tilespmem:s28], [sflag:$0x5] =	stream.linear.gather [hbm4b:s3+s8], $0x640, $0x38;
	[tilespmem:$0x4C00] =	vst v63  }
0x13: {  	_ =	swait.ge [sflag:s29], $0x80  }
0x14: {  	[sflag:s29] =	ssyncset.done $0x0  }
0x15: {  	[sflag:s29] =	ssyncadd.s32 $0xFFFFFF80  }
0x16: {  	_ =	swait.ge [sflag:s29], $0x80  }
0x17: {  	[sflag:s29] =	ssyncset.done $0x0  }
0x18: {  	[sflag:s29] =	ssyncadd.s32 $0xFFFFFF80  }
0x19: {  	s30 =	simm.s32 $0x2;
	v0 =	vld [tilespmem:$0x4B00]  }
0x1a: {  	v1 =	vld [tilespmem:$0x4B80];
	_ =	swait.ge [sflag:s30], $0x640  }
0x1b: {  	[sflag:s30] =	ssyncset.done $0x0  }
0x1c: {  	s31 =	simm.s32 $0x50;
	[sflag:s30] =	ssyncadd.s32 $0xFFFFF9C0  }
0x1d: {  	s11 =	sand.u32 $0x7E0, s8;
	v2 =	vld [tilespmem:s31+$0x40]  }
0x1e: {  	v3 =	vld [tilespmem:s11+$0x80];
	_ =	sdelay $0x2  }
0x1f: {  	v7 =	vld [tilespmem:s31+$0xFFFFFFE0]  }
0x20: {  	v4 =	vld [tilespmem:s31+$0xFFFFFFC0];
	v2 =	vand.u32 $0xF, v2  }
0x21: {  	v3 =	vand.u32 $0xF, v3;
	v6 =	vperm.xlane v0, v2  }
0x22: {  	s9 =	simm.s32 $0x1950;
	v5 =	vld [tilespmem:s31+$0xFFFFFFD0];
	v9 =	vperm.xlane v1, v3  }
0x23: {  	v3 =	vperm.xlane v0, v3;
	[tilespmem:s9+$0x40] =	vst v6  }
0x24: {  	v8 =	vld [tilespmem:s31+$0xFFFFFFF0];
	v7 =	vand.u32 $0xF, v7;
	v2 =	vperm.xlane v1, v2;
	[tilespmem:s11+$0x3280] =	vst v9  }
0x25: {  	s10 =	simm.s32 $0x3250;
	v4 =	vand.u32 $0xF, v4;
	v12 =	vperm.xlane v0, v7;
	v6 =	vld [tilespmem:s31+$0xFFFFFFB0];
	[tilespmem:s11+$0x1980] =	vst v3  }
0x26: {  	v9 =	vld [tilespmem:s31+$0x0];
	[tilespmem:s10+$0x40] =	vst v2;
	v2 =	vperm.xlane v0, v4  }
0x27: {  	v10 =	vld [tilespmem:s31+$0x10];
	v5 =	vand.u32 $0xF, v5;
	[tilespmem:s9+$0xFFFFFFE0] =	vst v12;
	v4 =	vperm.xlane v1, v4  }
0x28: {  	v11 =	vld [tilespmem:s31+$0x20];
	v3 =	vperm.xlane v0, v5;
	[tilespmem:s9+$0xFFFFFFC0] =	vst v2  }
0x29: {  	v13 =	vperm.xlane v1, v7;
	v5 =	vperm.xlane v1, v5;
	[tilespmem:s10+$0xFFFFFFC0] =	vst v4;
	v4 =	vand.u32 $0xF, v8  }
0x2a: {  	[tilespmem:s9+$0xFFFFFFD0] =	vst v3;
	v6 =	vand.u32 $0xF, v6;
	v2 =	vperm.xlane v0, v4;
	v4 =	vperm.xlane v1, v4  }
0x2b: {  	[tilespmem:s10+$0xFFFFFFD0] =	vst v5;
	v5 =	vand.u32 $0xF, v9;
	v7 =	vperm.xlane v0, v6;
	v9 =	vperm.xlane v1, v6  }
0x2c: {  	[tilespmem:s10+$0xFFFFFFE0] =	vst v13;
	v8 =	vand.u32 $0xF, v10;
	v3 =	vperm.xlane v0, v5;
	v5 =	vperm.xlane v1, v5  }
0x2d: {  	s12 =	simm.s32 $0xF0;
	v10 =	vand.u32 $0xF, v11;
	v6 =	vperm.xlane v0, v8;
	v8 =	vperm.xlane v1, v8;
	[tilespmem:s9+$0xFFFFFFB0] =	vst v7  }
0x2e: {  	s3 =	sadd.s32 $0xA00, s4;
	s4 =	sadd.s32 $0x3C00, s4;
	s11 =	simm.s32 $0x0;
	v7 =	vperm.xlane v0, v10;
	[tilespmem:s10+$0xFFFFFFB0] =	vst v9;
	v9 =	vperm.xlane v1, v10  }
.LBB2_1:
0x2f: {  	v10 =	vld [tilespmem:s12+$0x40];
	[tilespmem:s9+$0xFFFFFFF0] =	vst v2;
	s8 =	sadd.s32 $0xA0, s8  }
0x30: {  	s11 =	sadd.s32 $0xA, s11;
	v2 =	vld [tilespmem:s12+$0xFFFFFFC0];
	s13 =	sand.u32 $0x7E0, s8;
	[tilespmem:s10+$0xFFFFFFF0] =	vst v4  }
0x31: {  	p0 =	slt.u32 s11, $0x5A;
	v4 =	vld [tilespmem:s13+$0x80];
	[tilespmem:s9+$0x0] =	vst v3  }
0x32: {  	v3 =	vld [tilespmem:s12+$0xFFFFFFD0];
	[tilespmem:s10+$0x0] =	vst v5  }
0x33: {  	v5 =	vld [tilespmem:s12+$0xFFFFFFE0];
	[tilespmem:s9+$0x10] =	vst v6  }
0x34: {  	v6 =	vld [tilespmem:s12+$0xFFFFFFF0];
	v10 =	vand.u32 $0xF, v10;
	[tilespmem:s10+$0x10] =	vst v8  }
0x35: {  	v2 =	vand.u32 $0xF, v2;
	v8 =	vld [tilespmem:s12+$0x0];
	v11 =	vperm.xlane v0, v10;
	[tilespmem:s9+$0x20] =	vst v7  }
0x36: {  	v10 =	vperm.xlane v1, v10;
	s9 =	sadd.s32 $0xA0, s9;
	v7 =	vperm.xlane v0, v2;
	v12 =	vld [tilespmem:s12+$0x10];
	v4 =	vand.u32 $0xF, v4;
	[tilespmem:s10+$0x20] =	vst v9  }
0x37: {  	s10 =	sadd.s32 $0xA0, s10;
	v3 =	vand.u32 $0xF, v3;
	v9 =	vld [tilespmem:s12+$0x20];
	v13 =	vperm.xlane v0, v4;
	v4 =	vperm.xlane v1, v4;
	[tilespmem:s9+$0x40] =	vst v11  }
0x38: {  	v14 =	vperm.xlane v1, v2;
	v11 =	vld [tilespmem:s12+$0xFFFFFFB0];
	v15 =	vperm.xlane v0, v3;
	v2 =	vand.u32 $0xF, v5;
	[tilespmem:s10+$0x40] =	vst v10  }
0x39: {  	v10 =	vperm.xlane v1, v3;
	v16 =	vperm.xlane v0, v2;
	v3 =	vand.u32 $0xF, v6;
	[tilespmem:s13+$0x3280] =	vst v4  }
0x3a: {  	v17 =	vperm.xlane v1, v2;
	v2 =	vperm.xlane v0, v3;
	v5 =	vand.u32 $0xF, v8;
	[tilespmem:s13+$0x1980] =	vst v13  }
0x3b: {  	v4 =	vperm.xlane v1, v3;
	[tilespmem:s9+$0xFFFFFFC0] =	vst v7;
	v3 =	vperm.xlane v0, v5;
	v7 =	vand.u32 $0xF, v12  }
0x3c: {  	v5 =	vperm.xlane v1, v5;
	[tilespmem:s10+$0xFFFFFFC0] =	vst v14;
	v6 =	vperm.xlane v0, v7;
	v9 =	vand.u32 $0xF, v9  }
0x3d: {  	v8 =	vperm.xlane v1, v7;
	v11 =	vand.u32 $0xF, v11;
	[tilespmem:s9+$0xFFFFFFD0] =	vst v15;
	v7 =	vperm.xlane v0, v9  }
.Ltmp0:
0x3e: {  	v12 =	vperm.xlane v0, v11;
	v11 =	vperm.xlane v1, v11;
	[tilespmem:s10+$0xFFFFFFD0] =	vst v10;
	(pc) =	sbr.rel @p0 .LBB2_1-.Ltmp0, $4  }
0x3f: {  	v9 =	vperm.xlane v1, v9;
	[tilespmem:s9+$0xFFFFFFE0] =	vst v16  }
0x40: {  	[tilespmem:s9+$0xFFFFFFB0] =	vst v12  }
0x41: {  	[tilespmem:s10+$0xFFFFFFB0] =	vst v11  }
0x42: {  	s12 =	sadd.s32 $0xA0, s12;
	[tilespmem:s10+$0xFFFFFFE0] =	vst v17  }
0x43: {  	[tilespmem:s9+$0xFFFFFFF0] =	vst v2  }
0x44: {  	[tilespmem:s9+$0x0] =	vst v3  }
0x45: {  	[tilespmem:s9+$0x10] =	vst v6  }
0x46: {  	[tilespmem:s9+$0x20] =	vst v7  }
0x47: {  	[tilespmem:s10+$0xFFFFFFF0] =	vst v4  }
0x48: {  	[tilespmem:s10+$0x0] =	vst v5  }
0x49: {  	[tilespmem:s10+$0x10] =	vst v8  }
0x4a: {  	s8 =	sadd.s32 s3, s7;
	s25 =	simm.s32 $0x0;
	s26 =	simm.s32 $0x1900;
	[tilespmem:s10+$0x20] =	vst v9  }
0x4b: {  	[hbm4b:s8+s25] =	stream.linear.scatter [tilespmem:s26], [sflag:$0x6], $0x640, $0x38;
	[tilespmem:$0x4C00] =	vst v63  }
0x4c: {  	s28 =	sadd.s32 s4, s7;
	s29 =	simm.s32 $0x3200;
	s30 =	simm.s32 $0x3  }
0x4d: {  	[hbm4b:s28+s25] =	stream.linear.scatter [tilespmem:s29], [sflag:$0x6], $0x640, $0x38;
	[tilespmem:$0x4C00] =	vst v63  }
0x4e: {  	_ =	swait.ge [sflag:s30], $0x640  }
0x4f: {  	[sflag:s30] =	ssyncset.done $0x0  }
0x50: {  	s7 =	simm.s32 $0x640;
	[sflag:s30] =	ssyncadd.s32 $0xFFFFF9C0  }
0x51: {  	s31 =	sand.u32 $0xFE0, s7;
	v2 =	vld [tilespmem:s7+$0x90]  }
0x52: {  	v3 =	vld [tilespmem:s31+$0x80];
	_ =	sdelay $0x2  }
0x53: {  	v7 =	vld [tilespmem:s7+$0x30]  }
0x54: {  	v4 =	vld [tilespmem:s7+$0x10];
	v2 =	vand.u32 $0xF, v2  }
0x55: {  	v3 =	vand.u32 $0xF, v3;
	v6 =	vperm.xlane v0, v2  }
0x56: {  	s8 =	simm.s32 $0x1FD0;
	v5 =	vld [tilespmem:s7+$0x20];
	v9 =	vperm.xlane v1, v3  }
0x57: {  	v3 =	vperm.xlane v0, v3;
	[tilespmem:s8+$0x0] =	vst v6  }
0x58: {  	v8 =	vld [tilespmem:s7+$0x40];
	v7 =	vand.u32 $0xF, v7;
	v2 =	vperm.xlane v1, v2;
	[tilespmem:s31+$0x3280] =	vst v9  }
0x59: {  	s9 =	simm.s32 $0x38D0;
	v4 =	vand.u32 $0xF, v4;
	v12 =	vperm.xlane v0, v7;
	v6 =	vld [tilespmem:s7+$0x0];
	[tilespmem:s31+$0x1980] =	vst v3  }
0x5a: {  	v9 =	vld [tilespmem:s7+$0x50];
	[tilespmem:s9+$0x0] =	vst v2;
	v2 =	vperm.xlane v0, v4  }
0x5b: {  	v10 =	vld [tilespmem:s7+$0x60];
	v5 =	vand.u32 $0xF, v5;
	[tilespmem:s8+$0xFFFFFFA0] =	vst v12;
	v4 =	vperm.xlane v1, v4  }
0x5c: {  	v11 =	vld [tilespmem:s7+$0x70];
	v3 =	vperm.xlane v0, v5;
	[tilespmem:s8+$0xFFFFFF80] =	vst v2  }
0x5d: {  	v13 =	vperm.xlane v1, v7;
	v5 =	vperm.xlane v1, v5;
	[tilespmem:s9+$0xFFFFFF80] =	vst v4;
	v4 =	vand.u32 $0xF, v8  }
0x5e: {  	[tilespmem:s8+$0xFFFFFF90] =	vst v3;
	v6 =	vand.u32 $0xF, v6;
	v2 =	vperm.xlane v0, v4;
	v4 =	vperm.xlane v1, v4  }
0x5f: {  	[tilespmem:s9+$0xFFFFFF90] =	vst v5;
	v5 =	vand.u32 $0xF, v9;
	v8 =	vperm.xlane v0, v6;
	v6 =	vperm.xlane v1, v6  }
0x60: {  	[tilespmem:s9+$0xFFFFFFA0] =	vst v13;
	v9 =	vand.u32 $0xF, v10;
	v3 =	vperm.xlane v0, v5;
	v7 =	vperm.xlane v1, v5  }
0x61: {  	v5 =	vperm.xlane v0, v9;
	v9 =	vperm.xlane v1, v9;
	[tilespmem:s8+$0xFFFFFF70] =	vst v8;
	v8 =	vand.u32 $0xF, v11  }
0x62: {  	s11 =	simm.s32 $0x6E0;
	s10 =	simm.s32 $0x64;
	[tilespmem:s9+$0xFFFFFF70] =	vst v6;
	v6 =	vperm.xlane v0, v8;
	v8 =	vperm.xlane v1, v8  }
.LBB2_3:
0x63: {  	v10 =	vld [tilespmem:s11+$0x90];
	[tilespmem:s8+$0xFFFFFFB0] =	vst v2;
	s7 =	sadd.s32 $0xA0, s7  }
0x64: {  	s10 =	sadd.s32 $0xA, s10;
	v2 =	vld [tilespmem:s11+$0x10];
	s12 =	sand.u32 $0xFE0, s7;
	[tilespmem:s9+$0xFFFFFFB0] =	vst v4  }
0x65: {  	p0 =	slt.u32 s10, $0xBE;
	v4 =	vld [tilespmem:s12+$0x80];
	[tilespmem:s8+$0xFFFFFFC0] =	vst v3  }
0x66: {  	v3 =	vld [tilespmem:s11+$0x20];
	[tilespmem:s9+$0xFFFFFFC0] =	vst v7  }
0x67: {  	v7 =	vld [tilespmem:s11+$0x30];
	[tilespmem:s8+$0xFFFFFFD0] =	vst v5  }
0x68: {  	v5 =	vld [tilespmem:s11+$0x40];
	v10 =	vand.u32 $0xF, v10;
	[tilespmem:s9+$0xFFFFFFD0] =	vst v9  }
0x69: {  	v2 =	vand.u32 $0xF, v2;
	v9 =	vld [tilespmem:s11+$0x50];
	v11 =	vperm.xlane v0, v10;
	[tilespmem:s8+$0xFFFFFFE0] =	vst v6  }
0x6a: {  	v10 =	vperm.xlane v1, v10;
	s8 =	sadd.s32 $0xA0, s8;
	v6 =	vperm.xlane v0, v2;
	v12 =	vld [tilespmem:s11+$0x60];
	v4 =	vand.u32 $0xF, v4;
	[tilespmem:s9+$0xFFFFFFE0] =	vst v8  }
0x6b: {  	s9 =	sadd.s32 $0xA0, s9;
	v3 =	vand.u32 $0xF, v3;
	v8 =	vld [tilespmem:s11+$0x70];
	v13 =	vperm.xlane v0, v4;
	v4 =	vperm.xlane v1, v4;
	[tilespmem:s8+$0x0] =	vst v11  }
0x6c: {  	v14 =	vperm.xlane v1, v2;
	v11 =	vld [tilespmem:s11+$0x0];
	v15 =	vperm.xlane v0, v3;
	v2 =	vand.u32 $0xF, v7;
	[tilespmem:s9+$0x0] =	vst v10  }
0x6d: {  	v10 =	vperm.xlane v1, v3;
	v16 =	vperm.xlane v0, v2;
	v3 =	vand.u32 $0xF, v5;
	[tilespmem:s12+$0x3280] =	vst v4  }
0x6e: {  	v17 =	vperm.xlane v1, v2;
	v2 =	vperm.xlane v0, v3;
	v5 =	vand.u32 $0xF, v9;
	[tilespmem:s12+$0x1980] =	vst v13  }
0x6f: {  	v4 =	vperm.xlane v1, v3;
	[tilespmem:s8+$0xFFFFFF80] =	vst v6;
	v3 =	vperm.xlane v0, v5;
	v6 =	vand.u32 $0xF, v12  }
0x70: {  	v7 =	vperm.xlane v1, v5;
	[tilespmem:s9+$0xFFFFFF80] =	vst v14;
	v5 =	vperm.xlane v0, v6;
	v8 =	vand.u32 $0xF, v8  }
0x71: {  	v9 =	vperm.xlane v1, v6;
	v11 =	vand.u32 $0xF, v11;
	[tilespmem:s8+$0xFFFFFF90] =	vst v15;
	v6 =	vperm.xlane v0, v8  }
.Ltmp1:
0x72: {  	v12 =	vperm.xlane v0, v11;
	v11 =	vperm.xlane v1, v11;
	[tilespmem:s9+$0xFFFFFF90] =	vst v10;
	(pc) =	sbr.rel @p0 .LBB2_3-.Ltmp1, $4  }
0x73: {  	v8 =	vperm.xlane v1, v8;
	[tilespmem:s8+$0xFFFFFFA0] =	vst v16  }
0x74: {  	[tilespmem:s8+$0xFFFFFF70] =	vst v12  }
0x75: {  	[tilespmem:s9+$0xFFFFFF70] =	vst v11  }
0x76: {  	s11 =	sadd.s32 $0xA0, s11;
	[tilespmem:s9+$0xFFFFFFA0] =	vst v17  }
0x77: {  	[tilespmem:s8+$0xFFFFFFB0] =	vst v2  }
0x78: {  	[tilespmem:s8+$0xFFFFFFC0] =	vst v3  }
0x79: {  	[tilespmem:s8+$0xFFFFFFD0] =	vst v5  }
0x7a: {  	[tilespmem:s8+$0xFFFFFFE0] =	vst v6  }
0x7b: {  	[tilespmem:s9+$0xFFFFFFB0] =	vst v4  }
0x7c: {  	[tilespmem:s9+$0xFFFFFFC0] =	vst v7  }
0x7d: {  	[tilespmem:s9+$0xFFFFFFD0] =	vst v9  }
0x7e: {  	s7 =	sadd.s32 s3, s6;
	s25 =	simm.s32 $0x0;
	s26 =	simm.s32 $0x1F40;
	[tilespmem:s9+$0xFFFFFFE0] =	vst v8  }
0x7f: {  	[hbm4b:s7+s25] =	stream.linear.scatter [tilespmem:s26], [sflag:$0x6], $0x640, $0x38;
	[tilespmem:$0x4C00] =	vst v63  }
0x80: {  	s28 =	sadd.s32 s4, s6;
	s29 =	simm.s32 $0x3840;
	s30 =	simm.s32 $0x4  }
0x81: {  	[hbm4b:s28+s25] =	stream.linear.scatter [tilespmem:s29], [sflag:$0x6], $0x640, $0x38;
	[tilespmem:$0x4C00] =	vst v63  }
0x82: {  	_ =	swait.ge [sflag:s30], $0x640  }
0x83: {  	[sflag:s30] =	ssyncset.done $0x0  }
0x84: {  	s6 =	simm.s32 $0xC80;
	[sflag:s30] =	ssyncadd.s32 $0xFFFFF9C0  }
0x85: {  	s31 =	sand.u32 $0x1FE0, s6;
	v2 =	vld [tilespmem:s6+$0x90]  }
0x86: {  	v3 =	vld [tilespmem:s31+$0x80];
	_ =	sdelay $0x2  }
0x87: {  	v7 =	vld [tilespmem:s6+$0x30]  }
0x88: {  	v4 =	vld [tilespmem:s6+$0x10];
	v2 =	vand.u32 $0xF, v2  }
0x89: {  	v3 =	vand.u32 $0xF, v3;
	v6 =	vperm.xlane v0, v2  }
0x8a: {  	s7 =	simm.s32 $0x2610;
	v5 =	vld [tilespmem:s6+$0x20];
	v9 =	vperm.xlane v1, v3  }
0x8b: {  	v3 =	vperm.xlane v0, v3;
	[tilespmem:s7+$0x0] =	vst v6  }
0x8c: {  	v8 =	vld [tilespmem:s6+$0x40];
	v7 =	vand.u32 $0xF, v7;
	v2 =	vperm.xlane v1, v2;
	[tilespmem:s31+$0x3280] =	vst v9  }
0x8d: {  	s8 =	simm.s32 $0x3F10;
	v4 =	vand.u32 $0xF, v4;
	v12 =	vperm.xlane v0, v7;
	v6 =	vld [tilespmem:s6+$0x0];
	[tilespmem:s31+$0x1980] =	vst v3  }
0x8e: {  	v9 =	vld [tilespmem:s6+$0x50];
	[tilespmem:s8+$0x0] =	vst v2;
	v2 =	vperm.xlane v0, v4  }
0x8f: {  	v10 =	vld [tilespmem:s6+$0x60];
	v5 =	vand.u32 $0xF, v5;
	[tilespmem:s7+$0xFFFFFFA0] =	vst v12;
	v4 =	vperm.xlane v1, v4  }
0x90: {  	v11 =	vld [tilespmem:s6+$0x70];
	v3 =	vperm.xlane v0, v5;
	[tilespmem:s7+$0xFFFFFF80] =	vst v2  }
0x91: {  	v13 =	vperm.xlane v1, v7;
	v5 =	vperm.xlane v1, v5;
	[tilespmem:s8+$0xFFFFFF80] =	vst v4;
	v4 =	vand.u32 $0xF, v8  }
0x92: {  	[tilespmem:s7+$0xFFFFFF90] =	vst v3;
	v6 =	vand.u32 $0xF, v6;
	v2 =	vperm.xlane v0, v4;
	v4 =	vperm.xlane v1, v4  }
0x93: {  	[tilespmem:s8+$0xFFFFFF90] =	vst v5;
	v5 =	vand.u32 $0xF, v9;
	v8 =	vperm.xlane v0, v6;
	v6 =	vperm.xlane v1, v6  }
0x94: {  	[tilespmem:s8+$0xFFFFFFA0] =	vst v13;
	v9 =	vand.u32 $0xF, v10;
	v3 =	vperm.xlane v0, v5;
	v7 =	vperm.xlane v1, v5  }
0x95: {  	v5 =	vperm.xlane v0, v9;
	v9 =	vperm.xlane v1, v9;
	[tilespmem:s7+$0xFFFFFF70] =	vst v8;
	v8 =	vand.u32 $0xF, v11  }
0x96: {  	s10 =	simm.s32 $0xD20;
	s9 =	simm.s32 $0xC8;
	[tilespmem:s8+$0xFFFFFF70] =	vst v6;
	v6 =	vperm.xlane v0, v8;
	v8 =	vperm.xlane v1, v8  }
.LBB2_5:
0x97: {  	v10 =	vld [tilespmem:s10+$0x90];
	[tilespmem:s7+$0xFFFFFFB0] =	vst v2;
	s6 =	sadd.s32 $0xA0, s6  }
0x98: {  	s9 =	sadd.s32 $0xA, s9;
	v2 =	vld [tilespmem:s10+$0x10];
	s11 =	sand.u32 $0x1FE0, s6;
	[tilespmem:s8+$0xFFFFFFB0] =	vst v4  }
0x99: {  	p0 =	slt.u32 s9, $0x122;
	v4 =	vld [tilespmem:s11+$0x80];
	[tilespmem:s7+$0xFFFFFFC0] =	vst v3  }
0x9a: {  	v3 =	vld [tilespmem:s10+$0x20];
	[tilespmem:s8+$0xFFFFFFC0] =	vst v7  }
0x9b: {  	v7 =	vld [tilespmem:s10+$0x30];
	[tilespmem:s7+$0xFFFFFFD0] =	vst v5  }
0x9c: {  	v5 =	vld [tilespmem:s10+$0x40];
	v10 =	vand.u32 $0xF, v10;
	[tilespmem:s8+$0xFFFFFFD0] =	vst v9  }
0x9d: {  	v2 =	vand.u32 $0xF, v2;
	v9 =	vld [tilespmem:s10+$0x50];
	v11 =	vperm.xlane v0, v10;
	[tilespmem:s7+$0xFFFFFFE0] =	vst v6  }
0x9e: {  	v10 =	vperm.xlane v1, v10;
	s7 =	sadd.s32 $0xA0, s7;
	v6 =	vperm.xlane v0, v2;
	v12 =	vld [tilespmem:s10+$0x60];
	v4 =	vand.u32 $0xF, v4;
	[tilespmem:s8+$0xFFFFFFE0] =	vst v8  }
0x9f: {  	s8 =	sadd.s32 $0xA0, s8;
	v3 =	vand.u32 $0xF, v3;
	v8 =	vld [tilespmem:s10+$0x70];
	v13 =	vperm.xlane v0, v4;
	v4 =	vperm.xlane v1, v4;
	[tilespmem:s7+$0x0] =	vst v11  }
0xa0: {  	v14 =	vperm.xlane v1, v2;
	v11 =	vld [tilespmem:s10+$0x0];
	v15 =	vperm.xlane v0, v3;
	v2 =	vand.u32 $0xF, v7;
	[tilespmem:s8+$0x0] =	vst v10  }
0xa1: {  	v10 =	vperm.xlane v1, v3;
	v16 =	vperm.xlane v0, v2;
	v3 =	vand.u32 $0xF, v5;
	[tilespmem:s11+$0x3280] =	vst v4  }
0xa2: {  	v17 =	vperm.xlane v1, v2;
	v2 =	vperm.xlane v0, v3;
	v5 =	vand.u32 $0xF, v9;
	[tilespmem:s11+$0x1980] =	vst v13  }
0xa3: {  	v4 =	vperm.xlane v1, v3;
	[tilespmem:s7+$0xFFFFFF80] =	vst v6;
	v3 =	vperm.xlane v0, v5;
	v6 =	vand.u32 $0xF, v12  }
0xa4: {  	v7 =	vperm.xlane v1, v5;
	[tilespmem:s8+$0xFFFFFF80] =	vst v14;
	v5 =	vperm.xlane v0, v6;
	v8 =	vand.u32 $0xF, v8  }
0xa5: {  	v9 =	vperm.xlane v1, v6;
	v11 =	vand.u32 $0xF, v11;
	[tilespmem:s7+$0xFFFFFF90] =	vst v15;
	v6 =	vperm.xlane v0, v8  }
.Ltmp2:
0xa6: {  	v12 =	vperm.xlane v0, v11;
	v11 =	vperm.xlane v1, v11;
	[tilespmem:s8+$0xFFFFFF90] =	vst v10;
	(pc) =	sbr.rel @p0 .LBB2_5-.Ltmp2, $4  }
0xa7: {  	v8 =	vperm.xlane v1, v8;
	[tilespmem:s7+$0xFFFFFFA0] =	vst v16  }
0xa8: {  	[tilespmem:s7+$0xFFFFFF70] =	vst v12  }
0xa9: {  	[tilespmem:s8+$0xFFFFFF70] =	vst v11  }
0xaa: {  	s10 =	sadd.s32 $0xA0, s10;
	[tilespmem:s8+$0xFFFFFFA0] =	vst v17  }
0xab: {  	[tilespmem:s7+$0xFFFFFFB0] =	vst v2  }
0xac: {  	[tilespmem:s7+$0xFFFFFFC0] =	vst v3  }
0xad: {  	[tilespmem:s7+$0xFFFFFFD0] =	vst v5  }
0xae: {  	[tilespmem:s7+$0xFFFFFFE0] =	vst v6  }
0xaf: {  	[tilespmem:s8+$0xFFFFFFB0] =	vst v4  }
0xb0: {  	[tilespmem:s8+$0xFFFFFFC0] =	vst v7  }
0xb1: {  	[tilespmem:s8+$0xFFFFFFD0] =	vst v9  }
0xb2: {  	s6 =	sadd.s32 s3, s5;
	s25 =	simm.s32 $0x0;
	s26 =	simm.s32 $0x2580;
	[tilespmem:s8+$0xFFFFFFE0] =	vst v8  }
0xb3: {  	[hbm4b:s6+s25] =	stream.linear.scatter [tilespmem:s26], [sflag:$0x6], $0x640, $0x38;
	[tilespmem:$0x4C00] =	vst v63  }
0xb4: {  	s28 =	sadd.s32 s4, s5;
	s29 =	simm.s32 $0x3E80;
	s30 =	simm.s32 $0x5  }
0xb5: {  	[hbm4b:s28+s25] =	stream.linear.scatter [tilespmem:s29], [sflag:$0x6], $0x640, $0x38;
	[tilespmem:$0x4C00] =	vst v63  }
0xb6: {  	_ =	swait.ge [sflag:s30], $0x640  }
0xb7: {  	[sflag:s30] =	ssyncset.done $0x0  }
0xb8: {  	s5 =	simm.s32 $0x12C0;
	[sflag:s30] =	ssyncadd.s32 $0xFFFFF9C0  }
0xb9: {  	s31 =	sand.u32 $0x1FE0, s5;
	v2 =	vld [tilespmem:s5+$0x90]  }
0xba: {  	v3 =	vld [tilespmem:s31+$0x80];
	_ =	sdelay $0x2  }
0xbb: {  	v7 =	vld [tilespmem:s5+$0x30]  }
0xbc: {  	v4 =	vld [tilespmem:s5+$0x10];
	v2 =	vand.u32 $0xF, v2  }
0xbd: {  	v3 =	vand.u32 $0xF, v3;
	v6 =	vperm.xlane v0, v2  }
0xbe: {  	s6 =	simm.s32 $0x2C50;
	v5 =	vld [tilespmem:s5+$0x20];
	v9 =	vperm.xlane v1, v3  }
0xbf: {  	v3 =	vperm.xlane v0, v3;
	[tilespmem:s6+$0x0] =	vst v6  }
0xc0: {  	v8 =	vld [tilespmem:s5+$0x40];
	v7 =	vand.u32 $0xF, v7;
	v2 =	vperm.xlane v1, v2;
	[tilespmem:s31+$0x3280] =	vst v9  }
0xc1: {  	s7 =	simm.s32 $0x4550;
	v4 =	vand.u32 $0xF, v4;
	v12 =	vperm.xlane v0, v7;
	v6 =	vld [tilespmem:s5+$0x0];
	[tilespmem:s31+$0x1980] =	vst v3  }
0xc2: {  	v9 =	vld [tilespmem:s5+$0x50];
	[tilespmem:s7+$0x0] =	vst v2;
	v2 =	vperm.xlane v0, v4  }
0xc3: {  	v10 =	vld [tilespmem:s5+$0x60];
	v5 =	vand.u32 $0xF, v5;
	[tilespmem:s6+$0xFFFFFFA0] =	vst v12;
	v4 =	vperm.xlane v1, v4  }
0xc4: {  	v11 =	vld [tilespmem:s5+$0x70];
	v3 =	vperm.xlane v0, v5;
	[tilespmem:s6+$0xFFFFFF80] =	vst v2  }
0xc5: {  	v13 =	vperm.xlane v1, v7;
	v5 =	vperm.xlane v1, v5;
	[tilespmem:s7+$0xFFFFFF80] =	vst v4;
	v4 =	vand.u32 $0xF, v8  }
0xc6: {  	[tilespmem:s6+$0xFFFFFF90] =	vst v3;
	v6 =	vand.u32 $0xF, v6;
	v2 =	vperm.xlane v0, v4;
	v4 =	vperm.xlane v1, v4  }
0xc7: {  	[tilespmem:s7+$0xFFFFFF90] =	vst v5;
	v5 =	vand.u32 $0xF, v9;
	v8 =	vperm.xlane v0, v6;
	v6 =	vperm.xlane v1, v6  }
0xc8: {  	[tilespmem:s7+$0xFFFFFFA0] =	vst v13;
	v9 =	vand.u32 $0xF, v10;
	v3 =	vperm.xlane v0, v5;
	v7 =	vperm.xlane v1, v5  }
0xc9: {  	v5 =	vperm.xlane v0, v9;
	v9 =	vperm.xlane v1, v9;
	[tilespmem:s6+$0xFFFFFF70] =	vst v8;
	v8 =	vand.u32 $0xF, v11  }
0xca: {  	s9 =	simm.s32 $0x1360;
	s8 =	simm.s32 $0x12C;
	[tilespmem:s7+$0xFFFFFF70] =	vst v6;
	v6 =	vperm.xlane v0, v8;
	v8 =	vperm.xlane v1, v8  }
.LBB2_7:
0xcb: {  	v10 =	vld [tilespmem:s9+$0x90];
	[tilespmem:s6+$0xFFFFFFB0] =	vst v2;
	s5 =	sadd.s32 $0xA0, s5  }
0xcc: {  	s8 =	sadd.s32 $0xA, s8;
	v2 =	vld [tilespmem:s9+$0x10];
	s10 =	sand.u32 $0x1FE0, s5;
	[tilespmem:s7+$0xFFFFFFB0] =	vst v4  }
0xcd: {  	p0 =	slt.u32 s8, $0x186;
	v4 =	vld [tilespmem:s10+$0x80];
	[tilespmem:s6+$0xFFFFFFC0] =	vst v3  }
0xce: {  	v3 =	vld [tilespmem:s9+$0x20];
	[tilespmem:s7+$0xFFFFFFC0] =	vst v7  }
0xcf: {  	v7 =	vld [tilespmem:s9+$0x30];
	[tilespmem:s6+$0xFFFFFFD0] =	vst v5  }
0xd0: {  	v5 =	vld [tilespmem:s9+$0x40];
	v10 =	vand.u32 $0xF, v10;
	[tilespmem:s7+$0xFFFFFFD0] =	vst v9  }
0xd1: {  	v2 =	vand.u32 $0xF, v2;
	v9 =	vld [tilespmem:s9+$0x50];
	v11 =	vperm.xlane v0, v10;
	[tilespmem:s6+$0xFFFFFFE0] =	vst v6  }
0xd2: {  	v10 =	vperm.xlane v1, v10;
	s6 =	sadd.s32 $0xA0, s6;
	v6 =	vperm.xlane v0, v2;
	v12 =	vld [tilespmem:s9+$0x60];
	v4 =	vand.u32 $0xF, v4;
	[tilespmem:s7+$0xFFFFFFE0] =	vst v8  }
0xd3: {  	s7 =	sadd.s32 $0xA0, s7;
	v3 =	vand.u32 $0xF, v3;
	v8 =	vld [tilespmem:s9+$0x70];
	v13 =	vperm.xlane v0, v4;
	v4 =	vperm.xlane v1, v4;
	[tilespmem:s6+$0x0] =	vst v11  }
0xd4: {  	v14 =	vperm.xlane v1, v2;
	v11 =	vld [tilespmem:s9+$0x0];
	v15 =	vperm.xlane v0, v3;
	v2 =	vand.u32 $0xF, v7;
	[tilespmem:s7+$0x0] =	vst v10  }
0xd5: {  	v10 =	vperm.xlane v1, v3;
	v16 =	vperm.xlane v0, v2;
	v3 =	vand.u32 $0xF, v5;
	[tilespmem:s10+$0x3280] =	vst v4  }
0xd6: {  	v17 =	vperm.xlane v1, v2;
	v2 =	vperm.xlane v0, v3;
	v5 =	vand.u32 $0xF, v9;
	[tilespmem:s10+$0x1980] =	vst v13  }
0xd7: {  	v4 =	vperm.xlane v1, v3;
	[tilespmem:s6+$0xFFFFFF80] =	vst v6;
	v3 =	vperm.xlane v0, v5;
	v6 =	vand.u32 $0xF, v12  }
0xd8: {  	v7 =	vperm.xlane v1, v5;
	[tilespmem:s7+$0xFFFFFF80] =	vst v14;
	v5 =	vperm.xlane v0, v6;
	v8 =	vand.u32 $0xF, v8  }
0xd9: {  	v9 =	vperm.xlane v1, v6;
	v11 =	vand.u32 $0xF, v11;
	[tilespmem:s6+$0xFFFFFF90] =	vst v15;
	v6 =	vperm.xlane v0, v8  }
.Ltmp3:
0xda: {  	v12 =	vperm.xlane v0, v11;
	v11 =	vperm.xlane v1, v11;
	[tilespmem:s7+$0xFFFFFF90] =	vst v10;
	(pc) =	sbr.rel @p0 .LBB2_7-.Ltmp3, $4  }
0xdb: {  	v8 =	vperm.xlane v1, v8;
	[tilespmem:s6+$0xFFFFFFA0] =	vst v16  }
0xdc: {  	[tilespmem:s6+$0xFFFFFF70] =	vst v12  }
0xdd: {  	[tilespmem:s7+$0xFFFFFF70] =	vst v11  }
0xde: {  	s9 =	sadd.s32 $0xA0, s9;
	[tilespmem:s7+$0xFFFFFFA0] =	vst v17  }
0xdf: {  	[tilespmem:s6+$0xFFFFFFB0] =	vst v2  }
0xe0: {  	[tilespmem:s6+$0xFFFFFFC0] =	vst v3  }
0xe1: {  	[tilespmem:s6+$0xFFFFFFD0] =	vst v5  }
0xe2: {  	[tilespmem:s6+$0xFFFFFFE0] =	vst v6  }
0xe3: {  	[tilespmem:s7+$0xFFFFFFB0] =	vst v4  }
0xe4: {  	[tilespmem:s7+$0xFFFFFFC0] =	vst v7  }
0xe5: {  	[tilespmem:s7+$0xFFFFFFD0] =	vst v9  }
0xe6: {  	s3 =	sadd.s32 s3, s2;
	s5 =	simm.s32 $0x0;
	s28 =	simm.s32 $0x2BC0;
	[tilespmem:s7+$0xFFFFFFE0] =	vst v8  }
0xe7: {  	[hbm4b:s3+s5] =	stream.linear.scatter [tilespmem:s28], [sflag:$0x6], $0x640, $0x38;
	[tilespmem:$0x4C00] =	vst v63  }
0xe8: {  	s29 =	sadd.s32 s4, s2;
	s30 =	simm.s32 $0x44C0;
	s31 =	simm.s32 $0x6  }
0xe9: {  	[hbm4b:s29+s5] =	stream.linear.scatter [tilespmem:s30], [sflag:$0x6], $0x640, $0x38;
	[tilespmem:$0x4C00] =	vst v63  }
0xea: {  	_ =	swait.ge [sflag:s31], $0x640  }
0xeb: {  	[sflag:s31] =	ssyncset.done $0x0  }
0xec: {  	[sflag:s31] =	ssyncadd.s32 $0xFFFFF9C0  }
0xed: {  	_ =	swait.ge [sflag:s31], $0x640  }
0xee: {  	[sflag:s31] =	ssyncset.done $0x0  }
0xef: {  	[sflag:s31] =	ssyncadd.s32 $0xFFFFF9C0  }
0xf0: {  	_ =	swait.ge [sflag:s31], $0x640  }
0xf1: {  	[sflag:s31] =	ssyncset.done $0x0  }
0xf2: {  	[sflag:s31] =	ssyncadd.s32 $0xFFFFF9C0  }
0xf3: {  	_ =	swait.ge [sflag:s31], $0x640  }
0xf4: {  	[sflag:s31] =	ssyncset.done $0x0  }
0xf5: {  	[sflag:s31] =	ssyncadd.s32 $0xFFFFF9C0  }
0xf6: {  	_ =	swait.ge [sflag:s31], $0x640  }
0xf7: {  	[sflag:s31] =	ssyncset.done $0x0  }
0xf8: {  	[sflag:s31] =	ssyncadd.s32 $0xFFFFF9C0  }
0xf9: {  	_ =	swait.ge [sflag:s31], $0x640  }
0xfa: {  	[sflag:s31] =	ssyncset.done $0x0  }
0xfb: {  	[sflag:s31] =	ssyncadd.s32 $0xFFFFF9C0  }
0xfc: {  	_ =	swait.ge [sflag:s31], $0x640  }
0xfd: {  	[sflag:s31] =	ssyncset.done $0x0  }
0xfe: {  	[sflag:s31] =	ssyncadd.s32 $0xFFFFF9C0  }
0xff: {  	_ =	swait.ge [sflag:s31], $0x640  }
0x100: {  	[sflag:s31] =	ssyncset.done $0x0  }
0x101: {  	[sflag:s31] =	ssyncadd.s32 $0xFFFFF9C0  }
0x102: {  	_ =	sfence.sel $0x180000  }
0x103: {  	[bflag:$0x0] =	sbarrier.arrive $0xFFFF  }
0x104: {  	p0 =	sne.s32 s1, $0x0;
	_ =	strace $0x90000047  }
0x105: {  	s0 =	sadd.s32 @!p0 $0x100000, s0;
	[bflag:$0x2] =	sbarrier.arrive $0xFFFF  }
0x106: {  	[sflag:s0] =	ssyncadd.tile.s32 @!p0 $0x1;
	_ =	shalt  }
.Lfunc_end2:
_tile_overlayer_lowered:
.L_overlay_start_2:
0x107: {  	(tag) =	ssettag $0x2  }
0x108: {  	s0 =	rddreg [dreg:$0x0];
	s2 =	stileid.u32  }
0x109: {  	s1 =	rddreg [dreg:$0x1];
	p0 =	sne.s32 s2, $0x0  }
0x10a: {  	s3 =	rddreg [dreg:$0x2];
	[bflag:$0x3] =	sbarrier.arrive $0xFFFF;
	s2 =	simm.s32 @!p0 $0x1C07  }
0x10b: {  	[timem:s3], [sflag:s2] =	dma.local @!p0 [hbm:s0], s1  }
0x10c: {  	s0 =	simm.s32 @!p0 $0x7  }
0x10d: {  	_ =	swait.ge @!p0 [sflag:s0], s1  }
0x10e: {  	s1 =	ssub.s32 @!p0 $0x0, s1;
	[sflag:s0] =	ssyncset.done @!p0 $0x0  }
0x10f: {  	[sflag:s0] =	ssyncadd.s32 @!p0 s1  }
0x110: {  	[bflag:$0x3] =	sbarrier.arrive $0xFFFF  }
0x111: {  	_ =	shalt  }

</sc_bundles>
